<compile_context>
chip_gen: v7x
topology: tpu7x:2x2x1
jax: 0.10.2.dev20260603
libtpu: 0.0.44.dev20260713+nightly
codegen_flags: <defaults>
</compile_context>

<pallas_src>
import functools

import jax
import jax.numpy as jnp
from jax import lax
from jax.experimental import pallas as pl
from jax.experimental.pallas import tpu as pltpu
from jax.experimental.pallas import tpu_sc as plsc

N = 10000
R = 1805
NPAD = 10240
E = 320000
NC = 2
NS = 16
K = 128
NB = 8
CH = 158
CHD = CH // 2
EPAD = NS * CH * K
RPS = NPAD // NS
F32 = jnp.float32

_mesh = plsc.VectorSubcoreMesh(core_axis_name="c", subcore_axis_name="s")
_sc_params = pltpu.CompilerParams(use_tc_tiling_on_sc=False)



def _fill_vmem(ref, nrows, ncols, value):
    v = jnp.full((16,), value, F32)

    def row(i, carry):
        for j in range(ncols // 16):
            ref[i, pl.ds(j * 16, 16)] = v
        return carry

    lax.fori_loop(0, nrows, row, 0)


@functools.partial(
    pl.kernel,
    out_type=jax.ShapeDtypeStruct((NC, NPAD, 16), F32),
    mesh=_mesh,
    compiler_params=_sc_params,
    scratch_types=[
        pltpu.VMEM((CHD, K), jnp.int32),
        pltpu.VMEM((K, 16), F32),
        pltpu.VMEM((K, 16), F32),
        pltpu.VMEM_SHARED((NPAD, 16), F32),
    ],
)
def _sc_degree(dst_hbm, out_hbm, dstv, ones, zbuf, acc):
    c = lax.axis_index("c")
    s = lax.axis_index("s")
    pltpu.sync_copy(dst_hbm.at[s].at[pl.ds(c * CHD, CHD)], dstv)
    _fill_vmem(ones, K, 16, 1.0)
    _fill_vmem(zbuf, K, 16, 0.0)
    base = s * RPS

    def zc(i, carry):
        pltpu.sync_copy(zbuf, acc.at[pl.ds(base + i * K, K)])
        return carry

    lax.fori_loop(0, RPS // K, zc, 0)
    plsc.subcore_barrier()

    def body(i, carry):
        pltpu.sync_copy(ones, acc.at[dstv.at[i]], add=True)
        return carry

    lax.fori_loop(0, CHD, body, 0)
    plsc.subcore_barrier()
    pltpu.sync_copy(acc.at[pl.ds(base, RPS)], out_hbm.at[c].at[pl.ds(base, RPS)])


def _make_sc_aggregate(Dh):
    @functools.partial(
        pl.kernel,
        out_type=jax.ShapeDtypeStruct((NC, NPAD, Dh), F32),
        mesh=_mesh,
        compiler_params=_sc_params,
        scratch_types=[
            pltpu.VMEM((CH, K), jnp.int32),
            pltpu.VMEM((CH, K), jnp.int32),
            pltpu.VMEM((K, Dh), F32),
            pltpu.VMEM((K, Dh), F32),
            pltpu.VMEM_SHARED((NPAD, Dh), F32),
            pltpu.SemaphoreType.DMA,
            pltpu.SemaphoreType.DMA,
        ],
    )
    def agg(src_hbm, dst_hbm, g_hbm, out_hbm, srcv, dstv, rows_a, rows_b, acc,
            sem_a, sem_b):
        c = lax.axis_index("c")
        s = lax.axis_index("s")
        gh = g_hbm.at[c]
        pltpu.sync_copy(src_hbm.at[s], srcv)
        pltpu.sync_copy(dst_hbm.at[s], dstv)
        base = s * RPS
        pltpu.sync_copy(gh.at[pl.ds(base, RPS)], acc.at[pl.ds(base, RPS)])
        plsc.subcore_barrier()

        pltpu.async_copy(gh.at[srcv.at[0]], rows_a, sem_a)

        def body(j, carry):
            i0 = 2 * j
            pltpu.async_copy(gh.at[srcv.at[i0 + 1]], rows_b, sem_b)
            pltpu.make_async_copy(gh.at[srcv.at[i0]], rows_a, sem_a).wait()
            pltpu.sync_copy(rows_a, acc.at[dstv.at[i0]], add=True)

            @pl.when(j < CH // 2 - 1)
            def _():
                pltpu.async_copy(gh.at[srcv.at[i0 + 2]], rows_a, sem_a)

            pltpu.make_async_copy(gh.at[srcv.at[i0 + 1]], rows_b, sem_b).wait()
            pltpu.sync_copy(rows_b, acc.at[dstv.at[i0 + 1]], add=True)
            return carry

        lax.fori_loop(0, CH // 2, body, 0)
        plsc.subcore_barrier()
        pltpu.sync_copy(acc.at[pl.ds(base, RPS)],
                        out_hbm.at[c].at[pl.ds(base, RPS)])

    return agg


_sc_agg1 = _make_sc_aggregate(64)
_sc_agg2 = _make_sc_aggregate(32)



_BR = 1024


def _dis_block(degp, i, br):
    deg = degp[0, :, 0:1] + degp[1, :, 0:1]
    rid = i * br + lax.broadcasted_iota(jnp.int32, (br, 1), 0)
    deg = deg + jnp.where(rid < N, 1.0, 0.0).astype(F32)
    return jnp.where(deg > 0, lax.rsqrt(deg), 0.0)


def _mm_scale_body(x_ref, w_ref, degp_ref, o_ref):
    i = pl.program_id(0)
    dis = _dis_block(degp_ref[...], i, _BR)
    g = jnp.dot(x_ref[...], w_ref[...], preferred_element_type=F32) * dis
    o_ref[0] = g[:, :64]
    o_ref[1] = g[:, 64:]


def _tc_mm_scale(x_pad, W1, degp):
    return pl.pallas_call(
        _mm_scale_body,
        grid=(NPAD // _BR,),
        in_specs=[
            pl.BlockSpec((_BR, 128), lambda i: (i, 0)),
            pl.BlockSpec((128, 128), lambda i: (0, 0)),
            pl.BlockSpec((2, _BR, 16), lambda i: (0, i, 0)),
        ],
        out_specs=pl.BlockSpec((2, _BR, 64), lambda i: (0, i, 0)),
        out_shape=jax.ShapeDtypeStruct((2, NPAD, 64), F32),
    )(x_pad, W1, degp)


def _layer_body(p_ref, degp_ref, b_ref, w_ref, o_ref):
    i = pl.program_id(0)
    dis = _dis_block(degp_ref[...], i, _BR)
    ha = jnp.maximum(p_ref[0] * dis + b_ref[0, :, :64], 0.0)
    hb = jnp.maximum(p_ref[1] * dis + b_ref[0, :, 64:], 0.0)
    g2 = (jnp.dot(ha, w_ref[0], preferred_element_type=F32)
          + jnp.dot(hb, w_ref[1], preferred_element_type=F32)) * dis
    o_ref[0] = g2[:, :32]
    o_ref[1] = g2[:, 32:]


def _tc_layer(p1, degp, b1, W2):
    return pl.pallas_call(
        _layer_body,
        grid=(NPAD // _BR,),
        in_specs=[
            pl.BlockSpec((2, _BR, 64), lambda i: (0, i, 0)),
            pl.BlockSpec((2, _BR, 16), lambda i: (0, i, 0)),
            pl.BlockSpec((1, 1, 128), lambda i: (0, 0, 0)),
            pl.BlockSpec((2, 64, 64), lambda i: (0, 0, 0)),
        ],
        out_specs=pl.BlockSpec((2, _BR, 32), lambda i: (0, i, 0)),
        out_shape=jax.ShapeDtypeStruct((2, NPAD, 32), F32),
    )(p1, degp, b1, W2)


def _final_h_body(p_ref, degp_ref, b_ref, o_ref):
    i = pl.program_id(0)
    dis = _dis_block(degp_ref[...], i, _BR)
    o_ref[:, :32] = p_ref[0] * dis + b_ref[0, :, :32]
    o_ref[:, 32:] = p_ref[1] * dis + b_ref[0, :, 32:]


def _tc_final_h(p2, degp, b2):
    return pl.pallas_call(
        _final_h_body,
        grid=(NPAD // _BR,),
        in_specs=[
            pl.BlockSpec((2, _BR, 32), lambda i: (0, i, 0)),
            pl.BlockSpec((2, _BR, 16), lambda i: (0, i, 0)),
            pl.BlockSpec((1, 1, 64), lambda i: (0, 0, 0)),
        ],
        out_specs=pl.BlockSpec((_BR, 64), lambda i: (i, 0)),
        out_shape=jax.ShapeDtypeStruct((NPAD, 64), F32),
    )(p2, degp, b2)


_BM = 512
_BN = 4096


def _nt_body(a_ref, b_ref, o_ref):
    o_ref[...] = lax.dot_general(
        a_ref[...], b_ref[...], (((1,), (1,)), ((), ())),
        preferred_element_type=F32)


def _tc_decoder(rna, drug):
    gm = pl.cdiv(R, _BM)
    gn = pl.cdiv(N - R, _BN)
    return pl.pallas_call(
        _nt_body,
        grid=(gm, gn),
        in_specs=[
            pl.BlockSpec((_BM, 64), lambda i, j: (i, 0)),
            pl.BlockSpec((_BN, 64), lambda i, j: (j, 0)),
        ],
        out_specs=pl.BlockSpec((_BM, _BN), lambda i, j: (i, j)),
        out_shape=jax.ShapeDtypeStruct((R, N - R), F32),
    )(rna, drug)



def kernel(x, edge_index, W1, b1, W2, b2):
    ei = edge_index.astype(jnp.int32)
    padfill = jnp.full((EPAD - E,), N, jnp.int32)
    src3 = jnp.concatenate([ei[0], padfill]).reshape(NS, CH, K)
    dst3 = jnp.concatenate([ei[1], padfill]).reshape(NS, CH, K)
    x_pad = jnp.pad(x, ((0, NPAD - N), (0, 0)))

    degp = _sc_degree(dst3)
    g1 = _tc_mm_scale(x_pad, W1, degp)
    p1 = _sc_agg1(src3, dst3, g1)
    g2 = _tc_layer(p1, degp, b1.reshape(1, 1, 128), W2.reshape(2, 64, 64))
    p2 = _sc_agg2(src3, dst3, g2)
    h2 = _tc_final_h(p2, degp, b2.reshape(1, 1, 64))

    rna = h2[:R]
    drug = h2[R:N]
    return _tc_decoder(rna, drug)

# --- scband reference (transcript-rebuilt; emitter-appended) ---
"""Pipeline reference for scband-gnndecoder-71571335021124 (READ-ONLY COPY).

The authoritative reference and input builder live on the scoring server;
editing this copy changes nothing except your own understanding.
"""

import jax, jax.numpy as jnp
import numpy as np

NUM_NODES = 10000
NUM_RNA = 1805
IN_CH = 128
HID_CH = 128
OUT_CH = 64


def gcn_conv(x, edge_index, W, b, num_nodes):
    # GCNConv (PyG semantics): linear transform, then symmetric-normalized
    # aggregation with added self-loops, then bias.
    src = edge_index[0]
    dst = edge_index[1]
    loop = jnp.arange(num_nodes, dtype=edge_index.dtype)
    src = jnp.concatenate([src, loop])
    dst = jnp.concatenate([dst, loop])
    ones = jnp.ones(src.shape[0], dtype=x.dtype)
    deg = jnp.zeros((num_nodes,), dtype=x.dtype).at[dst].add(ones)
    deg_inv_sqrt = jnp.where(deg > 0, jax.lax.rsqrt(deg), 0.0)
    norm = deg_inv_sqrt[src] * deg_inv_sqrt[dst]
    h = x @ W
    msg = h[src] * norm[:, None]
    out = jnp.zeros((num_nodes, W.shape[1]), dtype=h.dtype).at[dst].add(msg)
    return out + b


def setup_inputs(seed: int = 0) -> dict:
    key = jax.random.key(seed)
    k1, k2, k3, k4, k5, k6 = jax.random.split(key, 6)
    x = jax.random.normal(k1, (NUM_NODES, IN_CH), dtype=jnp.float32)
    edge_index = jax.random.randint(k2, (2, 320000), 0, NUM_NODES, dtype=jnp.int64)
    W1 = jax.random.normal(k3, (IN_CH, HID_CH), dtype=jnp.float32) * (1.0 / np.sqrt(IN_CH))
    b1 = jnp.zeros((HID_CH,), dtype=jnp.float32)
    W2 = jax.random.normal(k4, (HID_CH, OUT_CH), dtype=jnp.float32) * (1.0 / np.sqrt(HID_CH))
    b2 = jnp.zeros((OUT_CH,), dtype=jnp.float32)
    return {"x": x, "edge_index": edge_index, "W1": W1, "b1": b1, "W2": W2, "b2": b2}


def reference(x, edge_index, W1, b1, W2, b2):
    h = gcn_conv(x, edge_index, W1, b1, NUM_NODES)
    h = jax.nn.relu(h)
    h = gcn_conv(h, edge_index, W2, b2, NUM_NODES)
    rna_emb = h[:NUM_RNA]
    drug_emb = h[NUM_RNA:]
    out = rna_emb @ drug_emb.T
    return out

if __name__ == "__main__":
    import jax
    _d = setup_inputs()
    print(jax.jit(kernel)(*tuple(_d.values())))

</pallas_src>

<mosaic_0001>
#map = affine_map<(d0, d1) -> (0, 0, 0)>
module attributes {stable_mosaic.version = 14 : i64} {
  func.func @agg(%arg0: i32, %arg1: i32, %arg2: memref<16x158x128xi32, #tpu.memory_space<hbm>>, %arg3: memref<16x158x128xi32, #tpu.memory_space<hbm>>, %arg4: memref<2x10240x64xf32, #tpu.memory_space<hbm>>, %arg5: memref<2x10240x64xf32, #tpu.memory_space<hbm>>, %arg6: memref<158x128xi32, #tpu.memory_space<vmem>>, %arg7: memref<158x128xi32, #tpu.memory_space<vmem>>, %arg8: memref<128x64xf32, #tpu.memory_space<vmem>>, %arg9: memref<128x64xf32, #tpu.memory_space<vmem>>, %arg10: memref<10240x64xf32, #tpu.memory_space<vmem_shared>>, %arg11: memref<!tpu.dma_semaphore, #tpu.memory_space<semaphore_mem>>, %arg12: memref<!tpu.dma_semaphore, #tpu.memory_space<semaphore_mem>>) attributes {dimension_semantics = [#tpu.dimension_semantics<core_parallel>, #tpu.dimension_semantics<subcore_parallel>], iteration_bounds = array<i64: 2, 16>, scalar_prefetch = 0 : i64, scratch_operands = 7 : i64, tpu.core_type = #tpu.core_type<sc_vector_subcore>, window_params = [{transform_indices = #map}, {transform_indices = #map}, {transform_indices = #map}, {transform_indices = #map}]} {
    "tpu.region"() ({
      %run_scoped3A = tpu.sem_alloc : memref<!tpu.dma_semaphore, #tpu.memory_space<semaphore_mem>>
      %dma_start3A_17 = arith.constant 0 : i32
      %dma_start3A_18 = arith.constant 0 : i32
      %dma_start3A_19 = tpu.memref_slice %arg2[%arg1, %dma_start3A_17, %dma_start3A_18] : memref<16x158x128xi32, #tpu.memory_space<hbm>> -> memref<1x158x128xi32, #tpu.memory_space<hbm>>
      %dma_start3A_20 = tpu.memref_squeeze %dma_start3A_19 : memref<1x158x128xi32, #tpu.memory_space<hbm>> -> memref<158x128xi32, #tpu.memory_space<hbm>>
      %dma_start3A_21 = arith.constant 0 : i32
      %dma_start3A_22 = arith.constant 0 : i32
      %dma_start3A_23 = tpu.memref_slice %arg2[%arg1, %dma_start3A_21, %dma_start3A_22] : memref<16x158x128xi32, #tpu.memory_space<hbm>> -> memref<1x158x128xi32, #tpu.memory_space<hbm>>
      %dma_start3A_24 = tpu.memref_squeeze %dma_start3A_23 : memref<1x158x128xi32, #tpu.memory_space<hbm>> -> memref<158x128xi32, #tpu.memory_space<hbm>>
      tpu.enqueue_dma source(%dma_start3A_24 : memref<158x128xi32, #tpu.memory_space<hbm>>) target(%arg6 : memref<158x128xi32, #tpu.memory_space<vmem>>) target_semaphore(%run_scoped3A : memref<!tpu.dma_semaphore, #tpu.memory_space<semaphore_mem>>)
      %dma_wait3A = arith.constant 0 : i32
      %dma_wait3A_25 = arith.constant 0 : i32
      %dma_wait3A_26 = tpu.memref_slice %arg2[%arg1, %dma_wait3A, %dma_wait3A_25] : memref<16x158x128xi32, #tpu.memory_space<hbm>> -> memref<1x158x128xi32, #tpu.memory_space<hbm>>
      %dma_wait3A_27 = tpu.memref_squeeze %dma_wait3A_26 : memref<1x158x128xi32, #tpu.memory_space<hbm>> -> memref<158x128xi32, #tpu.memory_space<hbm>>
      %dma_wait3A_28 = arith.constant 0 : i32
      %dma_wait3A_29 = arith.constant 0 : i32
      %dma_wait3A_30 = tpu.memref_slice %arg2[%arg1, %dma_wait3A_28, %dma_wait3A_29] : memref<16x158x128xi32, #tpu.memory_space<hbm>> -> memref<1x158x128xi32, #tpu.memory_space<hbm>>
      %dma_wait3A_31 = tpu.memref_squeeze %dma_wait3A_30 : memref<1x158x128xi32, #tpu.memory_space<hbm>> -> memref<158x128xi32, #tpu.memory_space<hbm>>
      tpu.wait_dma2 semaphore(%run_scoped3A : memref<!tpu.dma_semaphore, #tpu.memory_space<semaphore_mem>>) src(%dma_wait3A_31 : memref<158x128xi32, #tpu.memory_space<hbm>>) dst(%arg6 : memref<158x128xi32, #tpu.memory_space<vmem>>)
      tpu.yield
    }) : () -> ()
    "tpu.region"() ({
      %run_scoped3A = tpu.sem_alloc : memref<!tpu.dma_semaphore, #tpu.memory_space<semaphore_mem>>
      %dma_start3A_17 = arith.constant 0 : i32
      %dma_start3A_18 = arith.constant 0 : i32
      %dma_start3A_19 = tpu.memref_slice %arg3[%arg1, %dma_start3A_17, %dma_start3A_18] : memref<16x158x128xi32, #tpu.memory_space<hbm>> -> memref<1x158x128xi32, #tpu.memory_space<hbm>>
      %dma_start3A_20 = tpu.memref_squeeze %dma_start3A_19 : memref<1x158x128xi32, #tpu.memory_space<hbm>> -> memref<158x128xi32, #tpu.memory_space<hbm>>
      %dma_start3A_21 = arith.constant 0 : i32
      %dma_start3A_22 = arith.constant 0 : i32
      %dma_start3A_23 = tpu.memref_slice %arg3[%arg1, %dma_start3A_21, %dma_start3A_22] : memref<16x158x128xi32, #tpu.memory_space<hbm>> -> memref<1x158x128xi32, #tpu.memory_space<hbm>>
      %dma_start3A_24 = tpu.memref_squeeze %dma_start3A_23 : memref<1x158x128xi32, #tpu.memory_space<hbm>> -> memref<158x128xi32, #tpu.memory_space<hbm>>
      tpu.enqueue_dma source(%dma_start3A_24 : memref<158x128xi32, #tpu.memory_space<hbm>>) target(%arg7 : memref<158x128xi32, #tpu.memory_space<vmem>>) target_semaphore(%run_scoped3A : memref<!tpu.dma_semaphore, #tpu.memory_space<semaphore_mem>>)
      %dma_wait3A = arith.constant 0 : i32
      %dma_wait3A_25 = arith.constant 0 : i32
      %dma_wait3A_26 = tpu.memref_slice %arg3[%arg1, %dma_wait3A, %dma_wait3A_25] : memref<16x158x128xi32, #tpu.memory_space<hbm>> -> memref<1x158x128xi32, #tpu.memory_space<hbm>>
      %dma_wait3A_27 = tpu.memref_squeeze %dma_wait3A_26 : memref<1x158x128xi32, #tpu.memory_space<hbm>> -> memref<158x128xi32, #tpu.memory_space<hbm>>
      %dma_wait3A_28 = arith.constant 0 : i32
      %dma_wait3A_29 = arith.constant 0 : i32
      %dma_wait3A_30 = tpu.memref_slice %arg3[%arg1, %dma_wait3A_28, %dma_wait3A_29] : memref<16x158x128xi32, #tpu.memory_space<hbm>> -> memref<1x158x128xi32, #tpu.memory_space<hbm>>
      %dma_wait3A_31 = tpu.memref_squeeze %dma_wait3A_30 : memref<1x158x128xi32, #tpu.memory_space<hbm>> -> memref<158x128xi32, #tpu.memory_space<hbm>>
      tpu.wait_dma2 semaphore(%run_scoped3A : memref<!tpu.dma_semaphore, #tpu.memory_space<semaphore_mem>>) src(%dma_wait3A_31 : memref<158x128xi32, #tpu.memory_space<hbm>>) dst(%arg7 : memref<158x128xi32, #tpu.memory_space<vmem>>)
      tpu.yield
    }) : () -> ()
    %mul3A = arith.constant 640 : i32
    %mul3A_0 = arith.muli %arg1, %mul3A : i32
    "tpu.region"() ({
      %run_scoped3A = tpu.sem_alloc : memref<!tpu.dma_semaphore, #tpu.memory_space<semaphore_mem>>
      %dma_start3A_17 = arith.constant 0 : i32
      %dma_start3A_18 = tpu.memref_slice %arg10[%mul3A_0, %dma_start3A_17] : memref<10240x64xf32, #tpu.memory_space<vmem_shared>> -> memref<640x64xf32, #tpu.memory_space<vmem_shared>>
      %dma_start3A_19 = arith.constant 0 : i32
      %dma_start3A_20 = arith.constant 0 : i32
      %dma_start3A_21 = tpu.memref_slice %arg4[%arg0, %dma_start3A_19, %dma_start3A_20] : memref<2x10240x64xf32, #tpu.memory_space<hbm>> -> memref<1x10240x64xf32, #tpu.memory_space<hbm>>
      %dma_start3A_22 = tpu.memref_squeeze %dma_start3A_21 : memref<1x10240x64xf32, #tpu.memory_space<hbm>> -> memref<10240x64xf32, #tpu.memory_space<hbm>>
      %dma_start3A_23 = arith.constant 0 : i32
      %dma_start3A_24 = tpu.memref_slice %dma_start3A_22[%mul3A_0, %dma_start3A_23] : memref<10240x64xf32, #tpu.memory_space<hbm>> -> memref<640x64xf32, #tpu.memory_space<hbm>>
      tpu.enqueue_dma source(%dma_start3A_24 : memref<640x64xf32, #tpu.memory_space<hbm>>) target(%dma_start3A_18 : memref<640x64xf32, #tpu.memory_space<vmem_shared>>) target_semaphore(%run_scoped3A : memref<!tpu.dma_semaphore, #tpu.memory_space<semaphore_mem>>)
      %dma_wait3A = arith.constant 0 : i32
      %dma_wait3A_25 = tpu.memref_slice %arg10[%mul3A_0, %dma_wait3A] : memref<10240x64xf32, #tpu.memory_space<vmem_shared>> -> memref<640x64xf32, #tpu.memory_space<vmem_shared>>
      %dma_wait3A_26 = arith.constant 0 : i32
      %dma_wait3A_27 = arith.constant 0 : i32
      %dma_wait3A_28 = tpu.memref_slice %arg4[%arg0, %dma_wait3A_26, %dma_wait3A_27] : memref<2x10240x64xf32, #tpu.memory_space<hbm>> -> memref<1x10240x64xf32, #tpu.memory_space<hbm>>
      %dma_wait3A_29 = tpu.memref_squeeze %dma_wait3A_28 : memref<1x10240x64xf32, #tpu.memory_space<hbm>> -> memref<10240x64xf32, #tpu.memory_space<hbm>>
      %dma_wait3A_30 = arith.constant 0 : i32
      %dma_wait3A_31 = tpu.memref_slice %dma_wait3A_29[%mul3A_0, %dma_wait3A_30] : memref<10240x64xf32, #tpu.memory_space<hbm>> -> memref<640x64xf32, #tpu.memory_space<hbm>>
      tpu.wait_dma2 semaphore(%run_scoped3A : memref<!tpu.dma_semaphore, #tpu.memory_space<semaphore_mem>>) src(%dma_wait3A_31 : memref<640x64xf32, #tpu.memory_space<hbm>>) dst(%dma_wait3A_25 : memref<640x64xf32, #tpu.memory_space<vmem_shared>>)
      tpu.yield
    }) : () -> ()
    %barrier3A = arith.constant 0 : index
    tpu.barrier barrier_id(%barrier3A)
    %dma_start3A = arith.constant 0 : i32
    %dma_start3A_1 = arith.constant 0 : i32
    %dma_start3A_2 = tpu.memref_slice %arg6[%dma_start3A, %dma_start3A_1] : memref<158x128xi32, #tpu.memory_space<vmem>> -> memref<1x128xi32, #tpu.memory_space<vmem>>
    %dma_start3A_3 = tpu.memref_squeeze %dma_start3A_2 : memref<1x128xi32, #tpu.memory_space<vmem>> -> memref<128xi32, #tpu.memory_space<vmem>>
    %dma_start3A_4 = arith.constant 0 : i32
    %dma_start3A_5 = arith.constant 0 : i32
    %dma_start3A_6 = tpu.memref_slice %arg4[%arg0, %dma_start3A_4, %dma_start3A_5] : memref<2x10240x64xf32, #tpu.memory_space<hbm>> -> memref<1x10240x64xf32, #tpu.memory_space<hbm>>
    %dma_start3A_7 = tpu.memref_squeeze %dma_start3A_6 : memref<1x10240x64xf32, #tpu.memory_space<hbm>> -> memref<10240x64xf32, #tpu.memory_space<hbm>>
    %dma_start3A_8 = arith.constant 0 : i32
    %dma_start3A_9 = arith.constant 0 : i32
    %dma_start3A_10 = tpu.memref_slice %dma_start3A_7[%dma_start3A_8, %dma_start3A_9] : memref<10240x64xf32, #tpu.memory_space<hbm>> -> memref<10240x64xf32, #tpu.memory_space<hbm>>
    tpu.enqueue_indirect_dma source(%dma_start3A_10 : memref<10240x64xf32, #tpu.memory_space<hbm>>) target(%arg8 : memref<128x64xf32, #tpu.memory_space<vmem>>) offsets(%dma_start3A_3 : memref<128xi32, #tpu.memory_space<vmem>>) semaphore(%arg11 : memref<!tpu.dma_semaphore, #tpu.memory_space<semaphore_mem>>)
    %scan3A = arith.constant 0 : i32
    %scan3A_11 = arith.constant 0 : i32
    %scan3A_12 = arith.constant 79 : i32
    %scan3A_13 = arith.addi %scan3A_11, %scan3A_12 : i32
    %scan3A_14 = arith.constant 1 : i32
    scf.for %scan3A_17 = %scan3A_11 to %scan3A_13 step %scan3A_14  : i32 {
      %mul3A_18 = arith.constant 2 : i32
      %mul3A_19 = arith.muli %mul3A_18, %scan3A_17 : i32
      %add3A = arith.constant 1 : i32
      %add3A_20 = arith.addi %mul3A_19, %add3A : i32
      %dma_start3A_21 = arith.constant 0 : i32
      %dma_start3A_22 = tpu.memref_slice %arg6[%add3A_20, %dma_start3A_21] : memref<158x128xi32, #tpu.memory_space<vmem>> -> memref<1x128xi32, #tpu.memory_space<vmem>>
      %dma_start3A_23 = tpu.memref_squeeze %dma_start3A_22 : memref<1x128xi32, #tpu.memory_space<vmem>> -> memref<128xi32, #tpu.memory_space<vmem>>
      %dma_start3A_24 = arith.constant 0 : i32
      %dma_start3A_25 = arith.constant 0 : i32
      %dma_start3A_26 = tpu.memref_slice %arg4[%arg0, %dma_start3A_24, %dma_start3A_25] : memref<2x10240x64xf32, #tpu.memory_space<hbm>> -> memref<1x10240x64xf32, #tpu.memory_space<hbm>>
      %dma_start3A_27 = tpu.memref_squeeze %dma_start3A_26 : memref<1x10240x64xf32, #tpu.memory_space<hbm>> -> memref<10240x64xf32, #tpu.memory_space<hbm>>
      %dma_start3A_28 = arith.constant 0 : i32
      %dma_start3A_29 = arith.constant 0 : i32
      %dma_start3A_30 = tpu.memref_slice %dma_start3A_27[%dma_start3A_28, %dma_start3A_29] : memref<10240x64xf32, #tpu.memory_space<hbm>> -> memref<10240x64xf32, #tpu.memory_space<hbm>>
      tpu.enqueue_indirect_dma source(%dma_start3A_30 : memref<10240x64xf32, #tpu.memory_space<hbm>>) target(%arg9 : memref<128x64xf32, #tpu.memory_space<vmem>>) offsets(%dma_start3A_23 : memref<128xi32, #tpu.memory_space<vmem>>) semaphore(%arg12 : memref<!tpu.dma_semaphore, #tpu.memory_space<semaphore_mem>>)
      %dma_wait3A = arith.constant 0 : i32
      %dma_wait3A_31 = tpu.memref_slice %arg6[%mul3A_19, %dma_wait3A] : memref<158x128xi32, #tpu.memory_space<vmem>> -> memref<1x128xi32, #tpu.memory_space<vmem>>
      %dma_wait3A_32 = tpu.memref_squeeze %dma_wait3A_31 : memref<1x128xi32, #tpu.memory_space<vmem>> -> memref<128xi32, #tpu.memory_space<vmem>>
      %dma_wait3A_33 = arith.constant 0 : i32
      %dma_wait3A_34 = arith.constant 0 : i32
      %dma_wait3A_35 = tpu.memref_slice %arg4[%arg0, %dma_wait3A_33, %dma_wait3A_34] : memref<2x10240x64xf32, #tpu.memory_space<hbm>> -> memref<1x10240x64xf32, #tpu.memory_space<hbm>>
      %dma_wait3A_36 = tpu.memref_squeeze %dma_wait3A_35 : memref<1x10240x64xf32, #tpu.memory_space<hbm>> -> memref<10240x64xf32, #tpu.memory_space<hbm>>
      %dma_wait3A_37 = arith.constant 0 : i32
      %dma_wait3A_38 = arith.constant 0 : i32
      %dma_wait3A_39 = tpu.memref_slice %dma_wait3A_36[%dma_wait3A_37, %dma_wait3A_38] : memref<10240x64xf32, #tpu.memory_space<hbm>> -> memref<10240x64xf32, #tpu.memory_space<hbm>>
      tpu.wait_indirect_dma semaphore(%arg11 : memref<!tpu.dma_semaphore, #tpu.memory_space<semaphore_mem>>) src(%dma_wait3A_39 : memref<10240x64xf32, #tpu.memory_space<hbm>>) dst(%arg8 : memref<128x64xf32, #tpu.memory_space<vmem>>)
      "tpu.region"() ({
        %run_scoped3A = tpu.sem_alloc : memref<!tpu.dma_semaphore, #tpu.memory_space<semaphore_mem>>
        %dma_start3A_56 = arith.constant 0 : i32
        %dma_start3A_57 = tpu.memref_slice %arg7[%mul3A_19, %dma_start3A_56] : memref<158x128xi32, #tpu.memory_space<vmem>> -> memref<1x128xi32, #tpu.memory_space<vmem>>
        %dma_start3A_58 = tpu.memref_squeeze %dma_start3A_57 : memref<1x128xi32, #tpu.memory_space<vmem>> -> memref<128xi32, #tpu.memory_space<vmem>>
        %dma_start3A_59 = arith.constant 0 : i32
        %dma_start3A_60 = arith.constant 0 : i32
        %dma_start3A_61 = tpu.memref_slice %arg10[%dma_start3A_59, %dma_start3A_60] : memref<10240x64xf32, #tpu.memory_space<vmem_shared>> -> memref<10240x64xf32, #tpu.memory_space<vmem_shared>>
        tpu.enqueue_indirect_dma source(%arg8 : memref<128x64xf32, #tpu.memory_space<vmem>>) target(%dma_start3A_61 : memref<10240x64xf32, #tpu.memory_space<vmem_shared>>) offsets(%dma_start3A_58 : memref<128xi32, #tpu.memory_space<vmem>>) semaphore(%run_scoped3A : memref<!tpu.dma_semaphore, #tpu.memory_space<semaphore_mem>>) {add = true}
        %dma_wait3A_62 = arith.constant 0 : i32
        %dma_wait3A_63 = tpu.memref_slice %arg7[%mul3A_19, %dma_wait3A_62] : memref<158x128xi32, #tpu.memory_space<vmem>> -> memref<1x128xi32, #tpu.memory_space<vmem>>
        %dma_wait3A_64 = tpu.memref_squeeze %dma_wait3A_63 : memref<1x128xi32, #tpu.memory_space<vmem>> -> memref<128xi32, #tpu.memory_space<vmem>>
        %dma_wait3A_65 = arith.constant 0 : i32
        %dma_wait3A_66 = arith.constant 0 : i32
        %dma_wait3A_67 = tpu.memref_slice %arg10[%dma_wait3A_65, %dma_wait3A_66] : memref<10240x64xf32, #tpu.memory_space<vmem_shared>> -> memref<10240x64xf32, #tpu.memory_space<vmem_shared>>
        tpu.wait_indirect_dma semaphore(%run_scoped3A : memref<!tpu.dma_semaphore, #tpu.memory_space<semaphore_mem>>) src(%arg8 : memref<128x64xf32, #tpu.memory_space<vmem>>) dst(%dma_wait3A_67 : memref<10240x64xf32, #tpu.memory_space<vmem_shared>>)
        tpu.yield
      }) : () -> ()
      %lt3A = arith.constant 78 : i32
      %lt3A_40 = arith.cmpi slt, %scan3A_17, %lt3A : i32
      %convert_element_type3A = arith.extui %lt3A_40 : i1 to i32
      %cond3A = arith.constant 0 : i32
      %cond3A_41 = arith.cmpi ne, %convert_element_type3A, %cond3A : i32
      scf.if %cond3A_41 {
        %add3A_56 = arith.constant 2 : i32
        %add3A_57 = arith.addi %mul3A_19, %add3A_56 : i32
        %dma_start3A_58 = arith.constant 0 : i32
        %dma_start3A_59 = tpu.memref_slice %arg6[%add3A_57, %dma_start3A_58] : memref<158x128xi32, #tpu.memory_space<vmem>> -> memref<1x128xi32, #tpu.memory_space<vmem>>
        %dma_start3A_60 = tpu.memref_squeeze %dma_start3A_59 : memref<1x128xi32, #tpu.memory_space<vmem>> -> memref<128xi32, #tpu.memory_space<vmem>>
        %dma_start3A_61 = arith.constant 0 : i32
        %dma_start3A_62 = arith.constant 0 : i32
        %dma_start3A_63 = tpu.memref_slice %arg4[%arg0, %dma_start3A_61, %dma_start3A_62] : memref<2x10240x64xf32, #tpu.memory_space<hbm>> -> memref<1x10240x64xf32, #tpu.memory_space<hbm>>
        %dma_start3A_64 = tpu.memref_squeeze %dma_start3A_63 : memref<1x10240x64xf32, #tpu.memory_space<hbm>> -> memref<10240x64xf32, #tpu.memory_space<hbm>>
        %dma_start3A_65 = arith.constant 0 : i32
        %dma_start3A_66 = arith.constant 0 : i32
        %dma_start3A_67 = tpu.memref_slice %dma_start3A_64[%dma_start3A_65, %dma_start3A_66] : memref<10240x64xf32, #tpu.memory_space<hbm>> -> memref<10240x64xf32, #tpu.memory_space<hbm>>
        tpu.enqueue_indirect_dma source(%dma_start3A_67 : memref<10240x64xf32, #tpu.memory_space<hbm>>) target(%arg8 : memref<128x64xf32, #tpu.memory_space<vmem>>) offsets(%dma_start3A_60 : memref<128xi32, #tpu.memory_space<vmem>>) semaphore(%arg11 : memref<!tpu.dma_semaphore, #tpu.memory_space<semaphore_mem>>)
      } else {
      }
      %add3A_42 = arith.constant 1 : i32
      %add3A_43 = arith.addi %mul3A_19, %add3A_42 : i32
      %dma_wait3A_44 = arith.constant 0 : i32
      %dma_wait3A_45 = tpu.memref_slice %arg6[%add3A_43, %dma_wait3A_44] : memref<158x128xi32, #tpu.memory_space<vmem>> -> memref<1x128xi32, #tpu.memory_space<vmem>>
      %dma_wait3A_46 = tpu.memref_squeeze %dma_wait3A_45 : memref<1x128xi32, #tpu.memory_space<vmem>> -> memref<128xi32, #tpu.memory_space<vmem>>
      %dma_wait3A_47 = arith.constant 0 : i32
      %dma_wait3A_48 = arith.constant 0 : i32
      %dma_wait3A_49 = tpu.memref_slice %arg4[%arg0, %dma_wait3A_47, %dma_wait3A_48] : memref<2x10240x64xf32, #tpu.memory_space<hbm>> -> memref<1x10240x64xf32, #tpu.memory_space<hbm>>
      %dma_wait3A_50 = tpu.memref_squeeze %dma_wait3A_49 : memref<1x10240x64xf32, #tpu.memory_space<hbm>> -> memref<10240x64xf32, #tpu.memory_space<hbm>>
      %dma_wait3A_51 = arith.constant 0 : i32
      %dma_wait3A_52 = arith.constant 0 : i32
      %dma_wait3A_53 = tpu.memref_slice %dma_wait3A_50[%dma_wait3A_51, %dma_wait3A_52] : memref<10240x64xf32, #tpu.memory_space<hbm>> -> memref<10240x64xf32, #tpu.memory_space<hbm>>
      tpu.wait_indirect_dma semaphore(%arg12 : memref<!tpu.dma_semaphore, #tpu.memory_space<semaphore_mem>>) src(%dma_wait3A_53 : memref<10240x64xf32, #tpu.memory_space<hbm>>) dst(%arg9 : memref<128x64xf32, #tpu.memory_space<vmem>>)
      %add3A_54 = arith.constant 1 : i32
      %add3A_55 = arith.addi %mul3A_19, %add3A_54 : i32
      "tpu.region"() ({
        %run_scoped3A = tpu.sem_alloc : memref<!tpu.dma_semaphore, #tpu.memory_space<semaphore_mem>>
        %dma_start3A_56 = arith.constant 0 : i32
        %dma_start3A_57 = tpu.memref_slice %arg7[%add3A_55, %dma_start3A_56] : memref<158x128xi32, #tpu.memory_space<vmem>> -> memref<1x128xi32, #tpu.memory_space<vmem>>
        %dma_start3A_58 = tpu.memref_squeeze %dma_start3A_57 : memref<1x128xi32, #tpu.memory_space<vmem>> -> memref<128xi32, #tpu.memory_space<vmem>>
        %dma_start3A_59 = arith.constant 0 : i32
        %dma_start3A_60 = arith.constant 0 : i32
        %dma_start3A_61 = tpu.memref_slice %arg10[%dma_start3A_59, %dma_start3A_60] : memref<10240x64xf32, #tpu.memory_space<vmem_shared>> -> memref<10240x64xf32, #tpu.memory_space<vmem_shared>>
        tpu.enqueue_indirect_dma source(%arg9 : memref<128x64xf32, #tpu.memory_space<vmem>>) target(%dma_start3A_61 : memref<10240x64xf32, #tpu.memory_space<vmem_shared>>) offsets(%dma_start3A_58 : memref<128xi32, #tpu.memory_space<vmem>>) semaphore(%run_scoped3A : memref<!tpu.dma_semaphore, #tpu.memory_space<semaphore_mem>>) {add = true}
        %dma_wait3A_62 = arith.constant 0 : i32
        %dma_wait3A_63 = tpu.memref_slice %arg7[%add3A_55, %dma_wait3A_62] : memref<158x128xi32, #tpu.memory_space<vmem>> -> memref<1x128xi32, #tpu.memory_space<vmem>>
        %dma_wait3A_64 = tpu.memref_squeeze %dma_wait3A_63 : memref<1x128xi32, #tpu.memory_space<vmem>> -> memref<128xi32, #tpu.memory_space<vmem>>
        %dma_wait3A_65 = arith.constant 0 : i32
        %dma_wait3A_66 = arith.constant 0 : i32
        %dma_wait3A_67 = tpu.memref_slice %arg10[%dma_wait3A_65, %dma_wait3A_66] : memref<10240x64xf32, #tpu.memory_space<vmem_shared>> -> memref<10240x64xf32, #tpu.memory_space<vmem_shared>>
        tpu.wait_indirect_dma semaphore(%run_scoped3A : memref<!tpu.dma_semaphore, #tpu.memory_space<semaphore_mem>>) src(%arg9 : memref<128x64xf32, #tpu.memory_space<vmem>>) dst(%dma_wait3A_67 : memref<10240x64xf32, #tpu.memory_space<vmem_shared>>)
        tpu.yield
      }) : () -> ()
    }
    %scan3A_15 = arith.constant 79 : i32
    %barrier3A_16 = arith.constant 0 : index
    tpu.barrier barrier_id(%barrier3A_16)
    "tpu.region"() ({
      %run_scoped3A = tpu.sem_alloc : memref<!tpu.dma_semaphore, #tpu.memory_space<semaphore_mem>>
      %dma_start3A_17 = arith.constant 0 : i32
      %dma_start3A_18 = arith.constant 0 : i32
      %dma_start3A_19 = tpu.memref_slice %arg5[%arg0, %dma_start3A_17, %dma_start3A_18] : memref<2x10240x64xf32, #tpu.memory_space<hbm>> -> memref<1x10240x64xf32, #tpu.memory_space<hbm>>
      %dma_start3A_20 = tpu.memref_squeeze %dma_start3A_19 : memref<1x10240x64xf32, #tpu.memory_space<hbm>> -> memref<10240x64xf32, #tpu.memory_space<hbm>>
      %dma_start3A_21 = arith.constant 0 : i32
      %dma_start3A_22 = tpu.memref_slice %dma_start3A_20[%mul3A_0, %dma_start3A_21] : memref<10240x64xf32, #tpu.memory_space<hbm>> -> memref<640x64xf32, #tpu.memory_space<hbm>>
      %dma_start3A_23 = arith.constant 0 : i32
      %dma_start3A_24 = tpu.memref_slice %arg10[%mul3A_0, %dma_start3A_23] : memref<10240x64xf32, #tpu.memory_space<vmem_shared>> -> memref<640x64xf32, #tpu.memory_space<vmem_shared>>
      tpu.enqueue_dma source(%dma_start3A_24 : memref<640x64xf32, #tpu.memory_space<vmem_shared>>) target(%dma_start3A_22 : memref<640x64xf32, #tpu.memory_space<hbm>>) target_semaphore(%run_scoped3A : memref<!tpu.dma_semaphore, #tpu.memory_space<semaphore_mem>>)
      %dma_wait3A = arith.constant 0 : i32
      %dma_wait3A_25 = arith.constant 0 : i32
      %dma_wait3A_26 = tpu.memref_slice %arg5[%arg0, %dma_wait3A, %dma_wait3A_25] : memref<2x10240x64xf32, #tpu.memory_space<hbm>> -> memref<1x10240x64xf32, #tpu.memory_space<hbm>>
      %dma_wait3A_27 = tpu.memref_squeeze %dma_wait3A_26 : memref<1x10240x64xf32, #tpu.memory_space<hbm>> -> memref<10240x64xf32, #tpu.memory_space<hbm>>
      %dma_wait3A_28 = arith.constant 0 : i32
      %dma_wait3A_29 = tpu.memref_slice %dma_wait3A_27[%mul3A_0, %dma_wait3A_28] : memref<10240x64xf32, #tpu.memory_space<hbm>> -> memref<640x64xf32, #tpu.memory_space<hbm>>
      %dma_wait3A_30 = arith.constant 0 : i32
      %dma_wait3A_31 = tpu.memref_slice %arg10[%mul3A_0, %dma_wait3A_30] : memref<10240x64xf32, #tpu.memory_space<vmem_shared>> -> memref<640x64xf32, #tpu.memory_space<vmem_shared>>
      tpu.wait_dma2 semaphore(%run_scoped3A : memref<!tpu.dma_semaphore, #tpu.memory_space<semaphore_mem>>) src(%dma_wait3A_31 : memref<640x64xf32, #tpu.memory_space<vmem_shared>>) dst(%dma_wait3A_29 : memref<640x64xf32, #tpu.memory_space<hbm>>)
      tpu.yield
    }) : () -> ()
    return
  }
}

#map = affine_map<(d0, d1) -> (0, 0, 0)>
module attributes {stable_mosaic.version = 14 : i64} {
  func.func @_sc_degree(%arg0: i32, %arg1: i32, %arg2: memref<16x158x128xi32, #tpu.memory_space<hbm>>, %arg3: memref<2x10240x16xf32, #tpu.memory_space<hbm>>, %arg4: memref<79x128xi32, #tpu.memory_space<vmem>>, %arg5: memref<128x16xf32, #tpu.memory_space<vmem>>, %arg6: memref<128x16xf32, #tpu.memory_space<vmem>>, %arg7: memref<10240x16xf32, #tpu.memory_space<vmem_shared>>) attributes {dimension_semantics = [#tpu.dimension_semantics<core_parallel>, #tpu.dimension_semantics<subcore_parallel>], iteration_bounds = array<i64: 2, 16>, scalar_prefetch = 0 : i64, scratch_operands = 4 : i64, tpu.core_type = #tpu.core_type<sc_vector_subcore>, window_params = [{transform_indices = #map}, {transform_indices = #map}]} {
    %mul3A = arith.constant 79 : i32
    %mul3A_0 = arith.muli %arg0, %mul3A : i32
    "tpu.region"() ({
      %run_scoped3A = tpu.sem_alloc : memref<!tpu.dma_semaphore, #tpu.memory_space<semaphore_mem>>
      %dma_start3A = arith.constant 0 : i32
      %dma_start3A_30 = arith.constant 0 : i32
      %dma_start3A_31 = tpu.memref_slice %arg2[%arg1, %dma_start3A, %dma_start3A_30] : memref<16x158x128xi32, #tpu.memory_space<hbm>> -> memref<1x158x128xi32, #tpu.memory_space<hbm>>
      %dma_start3A_32 = tpu.memref_squeeze %dma_start3A_31 : memref<1x158x128xi32, #tpu.memory_space<hbm>> -> memref<158x128xi32, #tpu.memory_space<hbm>>
      %dma_start3A_33 = arith.constant 0 : i32
      %dma_start3A_34 = tpu.memref_slice %dma_start3A_32[%mul3A_0, %dma_start3A_33] : memref<158x128xi32, #tpu.memory_space<hbm>> -> memref<79x128xi32, #tpu.memory_space<hbm>>
      %dma_start3A_35 = arith.constant 0 : i32
      %dma_start3A_36 = arith.constant 0 : i32
      %dma_start3A_37 = tpu.memref_slice %arg2[%arg1, %dma_start3A_35, %dma_start3A_36] : memref<16x158x128xi32, #tpu.memory_space<hbm>> -> memref<1x158x128xi32, #tpu.memory_space<hbm>>
      %dma_start3A_38 = tpu.memref_squeeze %dma_start3A_37 : memref<1x158x128xi32, #tpu.memory_space<hbm>> -> memref<158x128xi32, #tpu.memory_space<hbm>>
      %dma_start3A_39 = arith.constant 0 : i32
      %dma_start3A_40 = tpu.memref_slice %dma_start3A_38[%mul3A_0, %dma_start3A_39] : memref<158x128xi32, #tpu.memory_space<hbm>> -> memref<79x128xi32, #tpu.memory_space<hbm>>
      tpu.enqueue_dma source(%dma_start3A_40 : memref<79x128xi32, #tpu.memory_space<hbm>>) target(%arg4 : memref<79x128xi32, #tpu.memory_space<vmem>>) target_semaphore(%run_scoped3A : memref<!tpu.dma_semaphore, #tpu.memory_space<semaphore_mem>>)
      %dma_wait3A = arith.constant 0 : i32
      %dma_wait3A_41 = arith.constant 0 : i32
      %dma_wait3A_42 = tpu.memref_slice %arg2[%arg1, %dma_wait3A, %dma_wait3A_41] : memref<16x158x128xi32, #tpu.memory_space<hbm>> -> memref<1x158x128xi32, #tpu.memory_space<hbm>>
      %dma_wait3A_43 = tpu.memref_squeeze %dma_wait3A_42 : memref<1x158x128xi32, #tpu.memory_space<hbm>> -> memref<158x128xi32, #tpu.memory_space<hbm>>
      %dma_wait3A_44 = arith.constant 0 : i32
      %dma_wait3A_45 = tpu.memref_slice %dma_wait3A_43[%mul3A_0, %dma_wait3A_44] : memref<158x128xi32, #tpu.memory_space<hbm>> -> memref<79x128xi32, #tpu.memory_space<hbm>>
      %dma_wait3A_46 = arith.constant 0 : i32
      %dma_wait3A_47 = arith.constant 0 : i32
      %dma_wait3A_48 = tpu.memref_slice %arg2[%arg1, %dma_wait3A_46, %dma_wait3A_47] : memref<16x158x128xi32, #tpu.memory_space<hbm>> -> memref<1x158x128xi32, #tpu.memory_space<hbm>>
      %dma_wait3A_49 = tpu.memref_squeeze %dma_wait3A_48 : memref<1x158x128xi32, #tpu.memory_space<hbm>> -> memref<158x128xi32, #tpu.memory_space<hbm>>
      %dma_wait3A_50 = arith.constant 0 : i32
      %dma_wait3A_51 = tpu.memref_slice %dma_wait3A_49[%mul3A_0, %dma_wait3A_50] : memref<158x128xi32, #tpu.memory_space<hbm>> -> memref<79x128xi32, #tpu.memory_space<hbm>>
      tpu.wait_dma2 semaphore(%run_scoped3A : memref<!tpu.dma_semaphore, #tpu.memory_space<semaphore_mem>>) src(%dma_wait3A_51 : memref<79x128xi32, #tpu.memory_space<hbm>>) dst(%arg4 : memref<79x128xi32, #tpu.memory_space<vmem>>)
      tpu.yield
    }) : () -> ()
    %broadcast_in_dim3A = arith.constant 1.000000e+00 : f32
    %broadcast_in_dim3A_1 = vector.broadcast %broadcast_in_dim3A : f32 to vector<16xf32>
    %scan3A = arith.constant 0 : i32
    %scan3A_2 = arith.constant 0 : i32
    %scan3A_3 = arith.constant 128 : i32
    %scan3A_4 = arith.addi %scan3A_2, %scan3A_3 : i32
    %scan3A_5 = arith.constant 1 : i32
    scf.for %scan3A_30 = %scan3A_2 to %scan3A_4 step %scan3A_5  : i32 {
      %swap3A = arith.index_cast %scan3A_30 : i32 to index
      %swap3A_31 = arith.constant 0 : index
      %swap3A_32 = tpu.vector_load %arg5[%swap3A, %swap3A_31] {strides = array<i32>} : memref<128x16xf32, #tpu.memory_space<vmem>>, vector<1x16xf32>,
      %swap3A_33 = vector.shape_cast %swap3A_32 : vector<1x16xf32> to vector<16xf32>
      %swap3A_34 = vector.shape_cast %broadcast_in_dim3A_1 : vector<16xf32> to vector<1x16xf32>
      tpu.vector_store %arg5[%swap3A, %swap3A_31], %swap3A_34 {strides = array<i32>} : memref<128x16xf32, #tpu.memory_space<vmem>>, vector<1x16xf32>,
    }
    %scan3A_6 = arith.constant 128 : i32
    %broadcast_in_dim3A_7 = arith.constant 0.000000e+00 : f32
    %broadcast_in_dim3A_8 = vector.broadcast %broadcast_in_dim3A_7 : f32 to vector<16xf32>
    %scan3A_9 = arith.constant 0 : i32
    %scan3A_10 = arith.constant 0 : i32
    %scan3A_11 = arith.constant 128 : i32
    %scan3A_12 = arith.addi %scan3A_10, %scan3A_11 : i32
    %scan3A_13 = arith.constant 1 : i32
    scf.for %scan3A_30 = %scan3A_10 to %scan3A_12 step %scan3A_13  : i32 {
      %swap3A = arith.index_cast %scan3A_30 : i32 to index
      %swap3A_31 = arith.constant 0 : index
      %swap3A_32 = tpu.vector_load %arg6[%swap3A, %swap3A_31] {strides = array<i32>} : memref<128x16xf32, #tpu.memory_space<vmem>>, vector<1x16xf32>,
      %swap3A_33 = vector.shape_cast %swap3A_32 : vector<1x16xf32> to vector<16xf32>
      %swap3A_34 = vector.shape_cast %broadcast_in_dim3A_8 : vector<16xf32> to vector<1x16xf32>
      tpu.vector_store %arg6[%swap3A, %swap3A_31], %swap3A_34 {strides = array<i32>} : memref<128x16xf32, #tpu.memory_space<vmem>>, vector<1x16xf32>,
    }
    %scan3A_14 = arith.constant 128 : i32
    %mul3A_15 = arith.constant 640 : i32
    %mul3A_16 = arith.muli %arg1, %mul3A_15 : i32
    %scan3A_17 = arith.constant 0 : i32
    %scan3A_18 = arith.constant 0 : i32
    %scan3A_19 = arith.constant 5 : i32
    %scan3A_20 = arith.addi %scan3A_18, %scan3A_19 : i32
    %scan3A_21 = arith.constant 1 : i32
    scf.for %scan3A_30 = %scan3A_18 to %scan3A_20 step %scan3A_21  : i32 {
      %mul3A_31 = arith.constant 128 : i32
      %mul3A_32 = arith.muli %scan3A_30, %mul3A_31 : i32
      %add3A = arith.addi %mul3A_16, %mul3A_32 : i32
      "tpu.region"() ({
        %run_scoped3A = tpu.sem_alloc : memref<!tpu.dma_semaphore, #tpu.memory_space<semaphore_mem>>
        %dma_start3A = arith.constant 0 : i32
        %dma_start3A_33 = tpu.memref_slice %arg7[%add3A, %dma_start3A] : memref<10240x16xf32, #tpu.memory_space<vmem_shared>> -> memref<128x16xf32, #tpu.memory_space<vmem_shared>>
        %dma_start3A_34 = arith.constant 0 : i32
        %dma_start3A_35 = tpu.memref_slice %arg7[%add3A, %dma_start3A_34] : memref<10240x16xf32, #tpu.memory_space<vmem_shared>> -> memref<128x16xf32, #tpu.memory_space<vmem_shared>>
        tpu.enqueue_dma source(%arg6 : memref<128x16xf32, #tpu.memory_space<vmem>>) target(%dma_start3A_35 : memref<128x16xf32, #tpu.memory_space<vmem_shared>>) target_semaphore(%run_scoped3A : memref<!tpu.dma_semaphore, #tpu.memory_space<semaphore_mem>>)
        %dma_wait3A = arith.constant 0 : i32
        %dma_wait3A_36 = tpu.memref_slice %arg7[%add3A, %dma_wait3A] : memref<10240x16xf32, #tpu.memory_space<vmem_shared>> -> memref<128x16xf32, #tpu.memory_space<vmem_shared>>
        %dma_wait3A_37 = arith.constant 0 : i32
        %dma_wait3A_38 = tpu.memref_slice %arg7[%add3A, %dma_wait3A_37] : memref<10240x16xf32, #tpu.memory_space<vmem_shared>> -> memref<128x16xf32, #tpu.memory_space<vmem_shared>>
        tpu.wait_dma2 semaphore(%run_scoped3A : memref<!tpu.dma_semaphore, #tpu.memory_space<semaphore_mem>>) src(%arg6 : memref<128x16xf32, #tpu.memory_space<vmem>>) dst(%dma_wait3A_38 : memref<128x16xf32, #tpu.memory_space<vmem_shared>>)
        tpu.yield
      }) : () -> ()
    }
    %scan3A_22 = arith.constant 5 : i32
    %barrier3A = arith.constant 0 : index
    tpu.barrier barrier_id(%barrier3A)
    %scan3A_23 = arith.constant 0 : i32
    %scan3A_24 = arith.constant 0 : i32
    %scan3A_25 = arith.constant 79 : i32
    %scan3A_26 = arith.addi %scan3A_24, %scan3A_25 : i32
    %scan3A_27 = arith.constant 1 : i32
    scf.for %scan3A_30 = %scan3A_24 to %scan3A_26 step %scan3A_27  : i32 {
      "tpu.region"() ({
        %run_scoped3A = tpu.sem_alloc : memref<!tpu.dma_semaphore, #tpu.memory_space<semaphore_mem>>
        %dma_start3A = arith.constant 0 : i32
        %dma_start3A_31 = tpu.memref_slice %arg4[%scan3A_30, %dma_start3A] : memref<79x128xi32, #tpu.memory_space<vmem>> -> memref<1x128xi32, #tpu.memory_space<vmem>>
        %dma_start3A_32 = tpu.memref_squeeze %dma_start3A_31 : memref<1x128xi32, #tpu.memory_space<vmem>> -> memref<128xi32, #tpu.memory_space<vmem>>
        %dma_start3A_33 = arith.constant 0 : i32
        %dma_start3A_34 = arith.constant 0 : i32
        %dma_start3A_35 = tpu.memref_slice %arg7[%dma_start3A_33, %dma_start3A_34] : memref<10240x16xf32, #tpu.memory_space<vmem_shared>> -> memref<10240x16xf32, #tpu.memory_space<vmem_shared>>
        tpu.enqueue_indirect_dma source(%arg5 : memref<128x16xf32, #tpu.memory_space<vmem>>) target(%dma_start3A_35 : memref<10240x16xf32, #tpu.memory_space<vmem_shared>>) offsets(%dma_start3A_32 : memref<128xi32, #tpu.memory_space<vmem>>) semaphore(%run_scoped3A : memref<!tpu.dma_semaphore, #tpu.memory_space<semaphore_mem>>) {add = true}
        %dma_wait3A = arith.constant 0 : i32
        %dma_wait3A_36 = tpu.memref_slice %arg4[%scan3A_30, %dma_wait3A] : memref<79x128xi32, #tpu.memory_space<vmem>> -> memref<1x128xi32, #tpu.memory_space<vmem>>
        %dma_wait3A_37 = tpu.memref_squeeze %dma_wait3A_36 : memref<1x128xi32, #tpu.memory_space<vmem>> -> memref<128xi32, #tpu.memory_space<vmem>>
        %dma_wait3A_38 = arith.constant 0 : i32
        %dma_wait3A_39 = arith.constant 0 : i32
        %dma_wait3A_40 = tpu.memref_slice %arg7[%dma_wait3A_38, %dma_wait3A_39] : memref<10240x16xf32, #tpu.memory_space<vmem_shared>> -> memref<10240x16xf32, #tpu.memory_space<vmem_shared>>
        tpu.wait_indirect_dma semaphore(%run_scoped3A : memref<!tpu.dma_semaphore, #tpu.memory_space<semaphore_mem>>) src(%arg5 : memref<128x16xf32, #tpu.memory_space<vmem>>) dst(%dma_wait3A_40 : memref<10240x16xf32, #tpu.memory_space<vmem_shared>>)
        tpu.yield
      }) : () -> ()
    }
    %scan3A_28 = arith.constant 79 : i32
    %barrier3A_29 = arith.constant 0 : index
    tpu.barrier barrier_id(%barrier3A_29)
    "tpu.region"() ({
      %run_scoped3A = tpu.sem_alloc : memref<!tpu.dma_semaphore, #tpu.memory_space<semaphore_mem>>
      %dma_start3A = arith.constant 0 : i32
      %dma_start3A_30 = arith.constant 0 : i32
      %dma_start3A_31 = tpu.memref_slice %arg3[%arg0, %dma_start3A, %dma_start3A_30] : memref<2x10240x16xf32, #tpu.memory_space<hbm>> -> memref<1x10240x16xf32, #tpu.memory_space<hbm>>
      %dma_start3A_32 = tpu.memref_squeeze %dma_start3A_31 : memref<1x10240x16xf32, #tpu.memory_space<hbm>> -> memref<10240x16xf32, #tpu.memory_space<hbm>>
      %dma_start3A_33 = arith.constant 0 : i32
      %dma_start3A_34 = tpu.memref_slice %dma_start3A_32[%mul3A_16, %dma_start3A_33] : memref<10240x16xf32, #tpu.memory_space<hbm>> -> memref<640x16xf32, #tpu.memory_space<hbm>>
      %dma_start3A_35 = arith.constant 0 : i32
      %dma_start3A_36 = tpu.memref_slice %arg7[%mul3A_16, %dma_start3A_35] : memref<10240x16xf32, #tpu.memory_space<vmem_shared>> -> memref<640x16xf32, #tpu.memory_space<vmem_shared>>
      tpu.enqueue_dma source(%dma_start3A_36 : memref<640x16xf32, #tpu.memory_space<vmem_shared>>) target(%dma_start3A_34 : memref<640x16xf32, #tpu.memory_space<hbm>>) target_semaphore(%run_scoped3A : memref<!tpu.dma_semaphore, #tpu.memory_space<semaphore_mem>>)
      %dma_wait3A = arith.constant 0 : i32
      %dma_wait3A_37 = arith.constant 0 : i32
      %dma_wait3A_38 = tpu.memref_slice %arg3[%arg0, %dma_wait3A, %dma_wait3A_37] : memref<2x10240x16xf32, #tpu.memory_space<hbm>> -> memref<1x10240x16xf32, #tpu.memory_space<hbm>>
      %dma_wait3A_39 = tpu.memref_squeeze %dma_wait3A_38 : memref<1x10240x16xf32, #tpu.memory_space<hbm>> -> memref<10240x16xf32, #tpu.memory_space<hbm>>
      %dma_wait3A_40 = arith.constant 0 : i32
      %dma_wait3A_41 = tpu.memref_slice %dma_wait3A_39[%mul3A_16, %dma_wait3A_40] : memref<10240x16xf32, #tpu.memory_space<hbm>> -> memref<640x16xf32, #tpu.memory_space<hbm>>
      %dma_wait3A_42 = arith.constant 0 : i32
      %dma_wait3A_43 = tpu.memref_slice %arg7[%mul3A_16, %dma_wait3A_42] : memref<10240x16xf32, #tpu.memory_space<vmem_shared>> -> memref<640x16xf32, #tpu.memory_space<vmem_shared>>
      tpu.wait_dma2 semaphore(%run_scoped3A : memref<!tpu.dma_semaphore, #tpu.memory_space<semaphore_mem>>) src(%dma_wait3A_43 : memref<640x16xf32, #tpu.memory_space<vmem_shared>>) dst(%dma_wait3A_41 : memref<640x16xf32, #tpu.memory_space<hbm>>)
      tpu.yield
    }) : () -> ()
    return
  }
}

#map = affine_map<(d0, d1) -> (0, 0, 0)>
module attributes {stable_mosaic.version = 14 : i64} {
  func.func @agg(%arg0: i32, %arg1: i32, %arg2: memref<16x158x128xi32, #tpu.memory_space<hbm>>, %arg3: memref<16x158x128xi32, #tpu.memory_space<hbm>>, %arg4: memref<2x10240x32xf32, #tpu.memory_space<hbm>>, %arg5: memref<2x10240x32xf32, #tpu.memory_space<hbm>>, %arg6: memref<158x128xi32, #tpu.memory_space<vmem>>, %arg7: memref<158x128xi32, #tpu.memory_space<vmem>>, %arg8: memref<128x32xf32, #tpu.memory_space<vmem>>, %arg9: memref<128x32xf32, #tpu.memory_space<vmem>>, %arg10: memref<10240x32xf32, #tpu.memory_space<vmem_shared>>, %arg11: memref<!tpu.dma_semaphore, #tpu.memory_space<semaphore_mem>>, %arg12: memref<!tpu.dma_semaphore, #tpu.memory_space<semaphore_mem>>) attributes {dimension_semantics = [#tpu.dimension_semantics<core_parallel>, #tpu.dimension_semantics<subcore_parallel>], iteration_bounds = array<i64: 2, 16>, scalar_prefetch = 0 : i64, scratch_operands = 7 : i64, tpu.core_type = #tpu.core_type<sc_vector_subcore>, window_params = [{transform_indices = #map}, {transform_indices = #map}, {transform_indices = #map}, {transform_indices = #map}]} {
    "tpu.region"() ({
      %run_scoped3A = tpu.sem_alloc : memref<!tpu.dma_semaphore, #tpu.memory_space<semaphore_mem>>
      %dma_start3A_17 = arith.constant 0 : i32
      %dma_start3A_18 = arith.constant 0 : i32
      %dma_start3A_19 = tpu.memref_slice %arg2[%arg1, %dma_start3A_17, %dma_start3A_18] : memref<16x158x128xi32, #tpu.memory_space<hbm>> -> memref<1x158x128xi32, #tpu.memory_space<hbm>>
      %dma_start3A_20 = tpu.memref_squeeze %dma_start3A_19 : memref<1x158x128xi32, #tpu.memory_space<hbm>> -> memref<158x128xi32, #tpu.memory_space<hbm>>
      %dma_start3A_21 = arith.constant 0 : i32
      %dma_start3A_22 = arith.constant 0 : i32
      %dma_start3A_23 = tpu.memref_slice %arg2[%arg1, %dma_start3A_21, %dma_start3A_22] : memref<16x158x128xi32, #tpu.memory_space<hbm>> -> memref<1x158x128xi32, #tpu.memory_space<hbm>>
      %dma_start3A_24 = tpu.memref_squeeze %dma_start3A_23 : memref<1x158x128xi32, #tpu.memory_space<hbm>> -> memref<158x128xi32, #tpu.memory_space<hbm>>
      tpu.enqueue_dma source(%dma_start3A_24 : memref<158x128xi32, #tpu.memory_space<hbm>>) target(%arg6 : memref<158x128xi32, #tpu.memory_space<vmem>>) target_semaphore(%run_scoped3A : memref<!tpu.dma_semaphore, #tpu.memory_space<semaphore_mem>>)
      %dma_wait3A = arith.constant 0 : i32
      %dma_wait3A_25 = arith.constant 0 : i32
      %dma_wait3A_26 = tpu.memref_slice %arg2[%arg1, %dma_wait3A, %dma_wait3A_25] : memref<16x158x128xi32, #tpu.memory_space<hbm>> -> memref<1x158x128xi32, #tpu.memory_space<hbm>>
      %dma_wait3A_27 = tpu.memref_squeeze %dma_wait3A_26 : memref<1x158x128xi32, #tpu.memory_space<hbm>> -> memref<158x128xi32, #tpu.memory_space<hbm>>
      %dma_wait3A_28 = arith.constant 0 : i32
      %dma_wait3A_29 = arith.constant 0 : i32
      %dma_wait3A_30 = tpu.memref_slice %arg2[%arg1, %dma_wait3A_28, %dma_wait3A_29] : memref<16x158x128xi32, #tpu.memory_space<hbm>> -> memref<1x158x128xi32, #tpu.memory_space<hbm>>
      %dma_wait3A_31 = tpu.memref_squeeze %dma_wait3A_30 : memref<1x158x128xi32, #tpu.memory_space<hbm>> -> memref<158x128xi32, #tpu.memory_space<hbm>>
      tpu.wait_dma2 semaphore(%run_scoped3A : memref<!tpu.dma_semaphore, #tpu.memory_space<semaphore_mem>>) src(%dma_wait3A_31 : memref<158x128xi32, #tpu.memory_space<hbm>>) dst(%arg6 : memref<158x128xi32, #tpu.memory_space<vmem>>)
      tpu.yield
    }) : () -> ()
    "tpu.region"() ({
      %run_scoped3A = tpu.sem_alloc : memref<!tpu.dma_semaphore, #tpu.memory_space<semaphore_mem>>
      %dma_start3A_17 = arith.constant 0 : i32
      %dma_start3A_18 = arith.constant 0 : i32
      %dma_start3A_19 = tpu.memref_slice %arg3[%arg1, %dma_start3A_17, %dma_start3A_18] : memref<16x158x128xi32, #tpu.memory_space<hbm>> -> memref<1x158x128xi32, #tpu.memory_space<hbm>>
      %dma_start3A_20 = tpu.memref_squeeze %dma_start3A_19 : memref<1x158x128xi32, #tpu.memory_space<hbm>> -> memref<158x128xi32, #tpu.memory_space<hbm>>
      %dma_start3A_21 = arith.constant 0 : i32
      %dma_start3A_22 = arith.constant 0 : i32
      %dma_start3A_23 = tpu.memref_slice %arg3[%arg1, %dma_start3A_21, %dma_start3A_22] : memref<16x158x128xi32, #tpu.memory_space<hbm>> -> memref<1x158x128xi32, #tpu.memory_space<hbm>>
      %dma_start3A_24 = tpu.memref_squeeze %dma_start3A_23 : memref<1x158x128xi32, #tpu.memory_space<hbm>> -> memref<158x128xi32, #tpu.memory_space<hbm>>
      tpu.enqueue_dma source(%dma_start3A_24 : memref<158x128xi32, #tpu.memory_space<hbm>>) target(%arg7 : memref<158x128xi32, #tpu.memory_space<vmem>>) target_semaphore(%run_scoped3A : memref<!tpu.dma_semaphore, #tpu.memory_space<semaphore_mem>>)
      %dma_wait3A = arith.constant 0 : i32
      %dma_wait3A_25 = arith.constant 0 : i32
      %dma_wait3A_26 = tpu.memref_slice %arg3[%arg1, %dma_wait3A, %dma_wait3A_25] : memref<16x158x128xi32, #tpu.memory_space<hbm>> -> memref<1x158x128xi32, #tpu.memory_space<hbm>>
      %dma_wait3A_27 = tpu.memref_squeeze %dma_wait3A_26 : memref<1x158x128xi32, #tpu.memory_space<hbm>> -> memref<158x128xi32, #tpu.memory_space<hbm>>
      %dma_wait3A_28 = arith.constant 0 : i32
      %dma_wait3A_29 = arith.constant 0 : i32
      %dma_wait3A_30 = tpu.memref_slice %arg3[%arg1, %dma_wait3A_28, %dma_wait3A_29] : memref<16x158x128xi32, #tpu.memory_space<hbm>> -> memref<1x158x128xi32, #tpu.memory_space<hbm>>
      %dma_wait3A_31 = tpu.memref_squeeze %dma_wait3A_30 : memref<1x158x128xi32, #tpu.memory_space<hbm>> -> memref<158x128xi32, #tpu.memory_space<hbm>>
      tpu.wait_dma2 semaphore(%run_scoped3A : memref<!tpu.dma_semaphore, #tpu.memory_space<semaphore_mem>>) src(%dma_wait3A_31 : memref<158x128xi32, #tpu.memory_space<hbm>>) dst(%arg7 : memref<158x128xi32, #tpu.memory_space<vmem>>)
      tpu.yield
    }) : () -> ()
    %mul3A = arith.constant 640 : i32
    %mul3A_0 = arith.muli %arg1, %mul3A : i32
    "tpu.region"() ({
      %run_scoped3A = tpu.sem_alloc : memref<!tpu.dma_semaphore, #tpu.memory_space<semaphore_mem>>
      %dma_start3A_17 = arith.constant 0 : i32
      %dma_start3A_18 = tpu.memref_slice %arg10[%mul3A_0, %dma_start3A_17] : memref<10240x32xf32, #tpu.memory_space<vmem_shared>> -> memref<640x32xf32, #tpu.memory_space<vmem_shared>>
      %dma_start3A_19 = arith.constant 0 : i32
      %dma_start3A_20 = arith.constant 0 : i32
      %dma_start3A_21 = tpu.memref_slice %arg4[%arg0, %dma_start3A_19, %dma_start3A_20] : memref<2x10240x32xf32, #tpu.memory_space<hbm>> -> memref<1x10240x32xf32, #tpu.memory_space<hbm>>
      %dma_start3A_22 = tpu.memref_squeeze %dma_start3A_21 : memref<1x10240x32xf32, #tpu.memory_space<hbm>> -> memref<10240x32xf32, #tpu.memory_space<hbm>>
      %dma_start3A_23 = arith.constant 0 : i32
      %dma_start3A_24 = tpu.memref_slice %dma_start3A_22[%mul3A_0, %dma_start3A_23] : memref<10240x32xf32, #tpu.memory_space<hbm>> -> memref<640x32xf32, #tpu.memory_space<hbm>>
      tpu.enqueue_dma source(%dma_start3A_24 : memref<640x32xf32, #tpu.memory_space<hbm>>) target(%dma_start3A_18 : memref<640x32xf32, #tpu.memory_space<vmem_shared>>) target_semaphore(%run_scoped3A : memref<!tpu.dma_semaphore, #tpu.memory_space<semaphore_mem>>)
      %dma_wait3A = arith.constant 0 : i32
      %dma_wait3A_25 = tpu.memref_slice %arg10[%mul3A_0, %dma_wait3A] : memref<10240x32xf32, #tpu.memory_space<vmem_shared>> -> memref<640x32xf32, #tpu.memory_space<vmem_shared>>
      %dma_wait3A_26 = arith.constant 0 : i32
      %dma_wait3A_27 = arith.constant 0 : i32
      %dma_wait3A_28 = tpu.memref_slice %arg4[%arg0, %dma_wait3A_26, %dma_wait3A_27] : memref<2x10240x32xf32, #tpu.memory_space<hbm>> -> memref<1x10240x32xf32, #tpu.memory_space<hbm>>
      %dma_wait3A_29 = tpu.memref_squeeze %dma_wait3A_28 : memref<1x10240x32xf32, #tpu.memory_space<hbm>> -> memref<10240x32xf32, #tpu.memory_space<hbm>>
      %dma_wait3A_30 = arith.constant 0 : i32
      %dma_wait3A_31 = tpu.memref_slice %dma_wait3A_29[%mul3A_0, %dma_wait3A_30] : memref<10240x32xf32, #tpu.memory_space<hbm>> -> memref<640x32xf32, #tpu.memory_space<hbm>>
      tpu.wait_dma2 semaphore(%run_scoped3A : memref<!tpu.dma_semaphore, #tpu.memory_space<semaphore_mem>>) src(%dma_wait3A_31 : memref<640x32xf32, #tpu.memory_space<hbm>>) dst(%dma_wait3A_25 : memref<640x32xf32, #tpu.memory_space<vmem_shared>>)
      tpu.yield
    }) : () -> ()
    %barrier3A = arith.constant 0 : index
    tpu.barrier barrier_id(%barrier3A)
    %dma_start3A = arith.constant 0 : i32
    %dma_start3A_1 = arith.constant 0 : i32
    %dma_start3A_2 = tpu.memref_slice %arg6[%dma_start3A, %dma_start3A_1] : memref<158x128xi32, #tpu.memory_space<vmem>> -> memref<1x128xi32, #tpu.memory_space<vmem>>
    %dma_start3A_3 = tpu.memref_squeeze %dma_start3A_2 : memref<1x128xi32, #tpu.memory_space<vmem>> -> memref<128xi32, #tpu.memory_space<vmem>>
    %dma_start3A_4 = arith.constant 0 : i32
    %dma_start3A_5 = arith.constant 0 : i32
    %dma_start3A_6 = tpu.memref_slice %arg4[%arg0, %dma_start3A_4, %dma_start3A_5] : memref<2x10240x32xf32, #tpu.memory_space<hbm>> -> memref<1x10240x32xf32, #tpu.memory_space<hbm>>
    %dma_start3A_7 = tpu.memref_squeeze %dma_start3A_6 : memref<1x10240x32xf32, #tpu.memory_space<hbm>> -> memref<10240x32xf32, #tpu.memory_space<hbm>>
    %dma_start3A_8 = arith.constant 0 : i32
    %dma_start3A_9 = arith.constant 0 : i32
    %dma_start3A_10 = tpu.memref_slice %dma_start3A_7[%dma_start3A_8, %dma_start3A_9] : memref<10240x32xf32, #tpu.memory_space<hbm>> -> memref<10240x32xf32, #tpu.memory_space<hbm>>
    tpu.enqueue_indirect_dma source(%dma_start3A_10 : memref<10240x32xf32, #tpu.memory_space<hbm>>) target(%arg8 : memref<128x32xf32, #tpu.memory_space<vmem>>) offsets(%dma_start3A_3 : memref<128xi32, #tpu.memory_space<vmem>>) semaphore(%arg11 : memref<!tpu.dma_semaphore, #tpu.memory_space<semaphore_mem>>)
    %scan3A = arith.constant 0 : i32
    %scan3A_11 = arith.constant 0 : i32
    %scan3A_12 = arith.constant 79 : i32
    %scan3A_13 = arith.addi %scan3A_11, %scan3A_12 : i32
    %scan3A_14 = arith.constant 1 : i32
    scf.for %scan3A_17 = %scan3A_11 to %scan3A_13 step %scan3A_14  : i32 {
      %mul3A_18 = arith.constant 2 : i32
      %mul3A_19 = arith.muli %mul3A_18, %scan3A_17 : i32
      %add3A = arith.constant 1 : i32
      %add3A_20 = arith.addi %mul3A_19, %add3A : i32
      %dma_start3A_21 = arith.constant 0 : i32
      %dma_start3A_22 = tpu.memref_slice %arg6[%add3A_20, %dma_start3A_21] : memref<158x128xi32, #tpu.memory_space<vmem>> -> memref<1x128xi32, #tpu.memory_space<vmem>>
      %dma_start3A_23 = tpu.memref_squeeze %dma_start3A_22 : memref<1x128xi32, #tpu.memory_space<vmem>> -> memref<128xi32, #tpu.memory_space<vmem>>
      %dma_start3A_24 = arith.constant 0 : i32
      %dma_start3A_25 = arith.constant 0 : i32
      %dma_start3A_26 = tpu.memref_slice %arg4[%arg0, %dma_start3A_24, %dma_start3A_25] : memref<2x10240x32xf32, #tpu.memory_space<hbm>> -> memref<1x10240x32xf32, #tpu.memory_space<hbm>>
      %dma_start3A_27 = tpu.memref_squeeze %dma_start3A_26 : memref<1x10240x32xf32, #tpu.memory_space<hbm>> -> memref<10240x32xf32, #tpu.memory_space<hbm>>
      %dma_start3A_28 = arith.constant 0 : i32
      %dma_start3A_29 = arith.constant 0 : i32
      %dma_start3A_30 = tpu.memref_slice %dma_start3A_27[%dma_start3A_28, %dma_start3A_29] : memref<10240x32xf32, #tpu.memory_space<hbm>> -> memref<10240x32xf32, #tpu.memory_space<hbm>>
      tpu.enqueue_indirect_dma source(%dma_start3A_30 : memref<10240x32xf32, #tpu.memory_space<hbm>>) target(%arg9 : memref<128x32xf32, #tpu.memory_space<vmem>>) offsets(%dma_start3A_23 : memref<128xi32, #tpu.memory_space<vmem>>) semaphore(%arg12 : memref<!tpu.dma_semaphore, #tpu.memory_space<semaphore_mem>>)
      %dma_wait3A = arith.constant 0 : i32
      %dma_wait3A_31 = tpu.memref_slice %arg6[%mul3A_19, %dma_wait3A] : memref<158x128xi32, #tpu.memory_space<vmem>> -> memref<1x128xi32, #tpu.memory_space<vmem>>
      %dma_wait3A_32 = tpu.memref_squeeze %dma_wait3A_31 : memref<1x128xi32, #tpu.memory_space<vmem>> -> memref<128xi32, #tpu.memory_space<vmem>>
      %dma_wait3A_33 = arith.constant 0 : i32
      %dma_wait3A_34 = arith.constant 0 : i32
      %dma_wait3A_35 = tpu.memref_slice %arg4[%arg0, %dma_wait3A_33, %dma_wait3A_34] : memref<2x10240x32xf32, #tpu.memory_space<hbm>> -> memref<1x10240x32xf32, #tpu.memory_space<hbm>>
      %dma_wait3A_36 = tpu.memref_squeeze %dma_wait3A_35 : memref<1x10240x32xf32, #tpu.memory_space<hbm>> -> memref<10240x32xf32, #tpu.memory_space<hbm>>
      %dma_wait3A_37 = arith.constant 0 : i32
      %dma_wait3A_38 = arith.constant 0 : i32
      %dma_wait3A_39 = tpu.memref_slice %dma_wait3A_36[%dma_wait3A_37, %dma_wait3A_38] : memref<10240x32xf32, #tpu.memory_space<hbm>> -> memref<10240x32xf32, #tpu.memory_space<hbm>>
      tpu.wait_indirect_dma semaphore(%arg11 : memref<!tpu.dma_semaphore, #tpu.memory_space<semaphore_mem>>) src(%dma_wait3A_39 : memref<10240x32xf32, #tpu.memory_space<hbm>>) dst(%arg8 : memref<128x32xf32, #tpu.memory_space<vmem>>)
      "tpu.region"() ({
        %run_scoped3A = tpu.sem_alloc : memref<!tpu.dma_semaphore, #tpu.memory_space<semaphore_mem>>
        %dma_start3A_56 = arith.constant 0 : i32
        %dma_start3A_57 = tpu.memref_slice %arg7[%mul3A_19, %dma_start3A_56] : memref<158x128xi32, #tpu.memory_space<vmem>> -> memref<1x128xi32, #tpu.memory_space<vmem>>
        %dma_start3A_58 = tpu.memref_squeeze %dma_start3A_57 : memref<1x128xi32, #tpu.memory_space<vmem>> -> memref<128xi32, #tpu.memory_space<vmem>>
        %dma_start3A_59 = arith.constant 0 : i32
        %dma_start3A_60 = arith.constant 0 : i32
        %dma_start3A_61 = tpu.memref_slice %arg10[%dma_start3A_59, %dma_start3A_60] : memref<10240x32xf32, #tpu.memory_space<vmem_shared>> -> memref<10240x32xf32, #tpu.memory_space<vmem_shared>>
        tpu.enqueue_indirect_dma source(%arg8 : memref<128x32xf32, #tpu.memory_space<vmem>>) target(%dma_start3A_61 : memref<10240x32xf32, #tpu.memory_space<vmem_shared>>) offsets(%dma_start3A_58 : memref<128xi32, #tpu.memory_space<vmem>>) semaphore(%run_scoped3A : memref<!tpu.dma_semaphore, #tpu.memory_space<semaphore_mem>>) {add = true}
        %dma_wait3A_62 = arith.constant 0 : i32
        %dma_wait3A_63 = tpu.memref_slice %arg7[%mul3A_19, %dma_wait3A_62] : memref<158x128xi32, #tpu.memory_space<vmem>> -> memref<1x128xi32, #tpu.memory_space<vmem>>
        %dma_wait3A_64 = tpu.memref_squeeze %dma_wait3A_63 : memref<1x128xi32, #tpu.memory_space<vmem>> -> memref<128xi32, #tpu.memory_space<vmem>>
        %dma_wait3A_65 = arith.constant 0 : i32
        %dma_wait3A_66 = arith.constant 0 : i32
        %dma_wait3A_67 = tpu.memref_slice %arg10[%dma_wait3A_65, %dma_wait3A_66] : memref<10240x32xf32, #tpu.memory_space<vmem_shared>> -> memref<10240x32xf32, #tpu.memory_space<vmem_shared>>
        tpu.wait_indirect_dma semaphore(%run_scoped3A : memref<!tpu.dma_semaphore, #tpu.memory_space<semaphore_mem>>) src(%arg8 : memref<128x32xf32, #tpu.memory_space<vmem>>) dst(%dma_wait3A_67 : memref<10240x32xf32, #tpu.memory_space<vmem_shared>>)
        tpu.yield
      }) : () -> ()
      %lt3A = arith.constant 78 : i32
      %lt3A_40 = arith.cmpi slt, %scan3A_17, %lt3A : i32
      %convert_element_type3A = arith.extui %lt3A_40 : i1 to i32
      %cond3A = arith.constant 0 : i32
      %cond3A_41 = arith.cmpi ne, %convert_element_type3A, %cond3A : i32
      scf.if %cond3A_41 {
        %add3A_56 = arith.constant 2 : i32
        %add3A_57 = arith.addi %mul3A_19, %add3A_56 : i32
        %dma_start3A_58 = arith.constant 0 : i32
        %dma_start3A_59 = tpu.memref_slice %arg6[%add3A_57, %dma_start3A_58] : memref<158x128xi32, #tpu.memory_space<vmem>> -> memref<1x128xi32, #tpu.memory_space<vmem>>
        %dma_start3A_60 = tpu.memref_squeeze %dma_start3A_59 : memref<1x128xi32, #tpu.memory_space<vmem>> -> memref<128xi32, #tpu.memory_space<vmem>>
        %dma_start3A_61 = arith.constant 0 : i32
        %dma_start3A_62 = arith.constant 0 : i32
        %dma_start3A_63 = tpu.memref_slice %arg4[%arg0, %dma_start3A_61, %dma_start3A_62] : memref<2x10240x32xf32, #tpu.memory_space<hbm>> -> memref<1x10240x32xf32, #tpu.memory_space<hbm>>
        %dma_start3A_64 = tpu.memref_squeeze %dma_start3A_63 : memref<1x10240x32xf32, #tpu.memory_space<hbm>> -> memref<10240x32xf32, #tpu.memory_space<hbm>>
        %dma_start3A_65 = arith.constant 0 : i32
        %dma_start3A_66 = arith.constant 0 : i32
        %dma_start3A_67 = tpu.memref_slice %dma_start3A_64[%dma_start3A_65, %dma_start3A_66] : memref<10240x32xf32, #tpu.memory_space<hbm>> -> memref<10240x32xf32, #tpu.memory_space<hbm>>
        tpu.enqueue_indirect_dma source(%dma_start3A_67 : memref<10240x32xf32, #tpu.memory_space<hbm>>) target(%arg8 : memref<128x32xf32, #tpu.memory_space<vmem>>) offsets(%dma_start3A_60 : memref<128xi32, #tpu.memory_space<vmem>>) semaphore(%arg11 : memref<!tpu.dma_semaphore, #tpu.memory_space<semaphore_mem>>)
      } else {
      }
      %add3A_42 = arith.constant 1 : i32
      %add3A_43 = arith.addi %mul3A_19, %add3A_42 : i32
      %dma_wait3A_44 = arith.constant 0 : i32
      %dma_wait3A_45 = tpu.memref_slice %arg6[%add3A_43, %dma_wait3A_44] : memref<158x128xi32, #tpu.memory_space<vmem>> -> memref<1x128xi32, #tpu.memory_space<vmem>>
      %dma_wait3A_46 = tpu.memref_squeeze %dma_wait3A_45 : memref<1x128xi32, #tpu.memory_space<vmem>> -> memref<128xi32, #tpu.memory_space<vmem>>
      %dma_wait3A_47 = arith.constant 0 : i32
      %dma_wait3A_48 = arith.constant 0 : i32
      %dma_wait3A_49 = tpu.memref_slice %arg4[%arg0, %dma_wait3A_47, %dma_wait3A_48] : memref<2x10240x32xf32, #tpu.memory_space<hbm>> -> memref<1x10240x32xf32, #tpu.memory_space<hbm>>
      %dma_wait3A_50 = tpu.memref_squeeze %dma_wait3A_49 : memref<1x10240x32xf32, #tpu.memory_space<hbm>> -> memref<10240x32xf32, #tpu.memory_space<hbm>>
      %dma_wait3A_51 = arith.constant 0 : i32
      %dma_wait3A_52 = arith.constant 0 : i32
      %dma_wait3A_53 = tpu.memref_slice %dma_wait3A_50[%dma_wait3A_51, %dma_wait3A_52] : memref<10240x32xf32, #tpu.memory_space<hbm>> -> memref<10240x32xf32, #tpu.memory_space<hbm>>
      tpu.wait_indirect_dma semaphore(%arg12 : memref<!tpu.dma_semaphore, #tpu.memory_space<semaphore_mem>>) src(%dma_wait3A_53 : memref<10240x32xf32, #tpu.memory_space<hbm>>) dst(%arg9 : memref<128x32xf32, #tpu.memory_space<vmem>>)
      %add3A_54 = arith.constant 1 : i32
      %add3A_55 = arith.addi %mul3A_19, %add3A_54 : i32
      "tpu.region"() ({
        %run_scoped3A = tpu.sem_alloc : memref<!tpu.dma_semaphore, #tpu.memory_space<semaphore_mem>>
        %dma_start3A_56 = arith.constant 0 : i32
        %dma_start3A_57 = tpu.memref_slice %arg7[%add3A_55, %dma_start3A_56] : memref<158x128xi32, #tpu.memory_space<vmem>> -> memref<1x128xi32, #tpu.memory_space<vmem>>
        %dma_start3A_58 = tpu.memref_squeeze %dma_start3A_57 : memref<1x128xi32, #tpu.memory_space<vmem>> -> memref<128xi32, #tpu.memory_space<vmem>>
        %dma_start3A_59 = arith.constant 0 : i32
        %dma_start3A_60 = arith.constant 0 : i32
        %dma_start3A_61 = tpu.memref_slice %arg10[%dma_start3A_59, %dma_start3A_60] : memref<10240x32xf32, #tpu.memory_space<vmem_shared>> -> memref<10240x32xf32, #tpu.memory_space<vmem_shared>>
        tpu.enqueue_indirect_dma source(%arg9 : memref<128x32xf32, #tpu.memory_space<vmem>>) target(%dma_start3A_61 : memref<10240x32xf32, #tpu.memory_space<vmem_shared>>) offsets(%dma_start3A_58 : memref<128xi32, #tpu.memory_space<vmem>>) semaphore(%run_scoped3A : memref<!tpu.dma_semaphore, #tpu.memory_space<semaphore_mem>>) {add = true}
        %dma_wait3A_62 = arith.constant 0 : i32
        %dma_wait3A_63 = tpu.memref_slice %arg7[%add3A_55, %dma_wait3A_62] : memref<158x128xi32, #tpu.memory_space<vmem>> -> memref<1x128xi32, #tpu.memory_space<vmem>>
        %dma_wait3A_64 = tpu.memref_squeeze %dma_wait3A_63 : memref<1x128xi32, #tpu.memory_space<vmem>> -> memref<128xi32, #tpu.memory_space<vmem>>
        %dma_wait3A_65 = arith.constant 0 : i32
        %dma_wait3A_66 = arith.constant 0 : i32
        %dma_wait3A_67 = tpu.memref_slice %arg10[%dma_wait3A_65, %dma_wait3A_66] : memref<10240x32xf32, #tpu.memory_space<vmem_shared>> -> memref<10240x32xf32, #tpu.memory_space<vmem_shared>>
        tpu.wait_indirect_dma semaphore(%run_scoped3A : memref<!tpu.dma_semaphore, #tpu.memory_space<semaphore_mem>>) src(%arg9 : memref<128x32xf32, #tpu.memory_space<vmem>>) dst(%dma_wait3A_67 : memref<10240x32xf32, #tpu.memory_space<vmem_shared>>)
        tpu.yield
      }) : () -> ()
    }
    %scan3A_15 = arith.constant 79 : i32
    %barrier3A_16 = arith.constant 0 : index
    tpu.barrier barrier_id(%barrier3A_16)
    "tpu.region"() ({
      %run_scoped3A = tpu.sem_alloc : memref<!tpu.dma_semaphore, #tpu.memory_space<semaphore_mem>>
      %dma_start3A_17 = arith.constant 0 : i32
      %dma_start3A_18 = arith.constant 0 : i32
      %dma_start3A_19 = tpu.memref_slice %arg5[%arg0, %dma_start3A_17, %dma_start3A_18] : memref<2x10240x32xf32, #tpu.memory_space<hbm>> -> memref<1x10240x32xf32, #tpu.memory_space<hbm>>
      %dma_start3A_20 = tpu.memref_squeeze %dma_start3A_19 : memref<1x10240x32xf32, #tpu.memory_space<hbm>> -> memref<10240x32xf32, #tpu.memory_space<hbm>>
      %dma_start3A_21 = arith.constant 0 : i32
      %dma_start3A_22 = tpu.memref_slice %dma_start3A_20[%mul3A_0, %dma_start3A_21] : memref<10240x32xf32, #tpu.memory_space<hbm>> -> memref<640x32xf32, #tpu.memory_space<hbm>>
      %dma_start3A_23 = arith.constant 0 : i32
      %dma_start3A_24 = tpu.memref_slice %arg10[%mul3A_0, %dma_start3A_23] : memref<10240x32xf32, #tpu.memory_space<vmem_shared>> -> memref<640x32xf32, #tpu.memory_space<vmem_shared>>
      tpu.enqueue_dma source(%dma_start3A_24 : memref<640x32xf32, #tpu.memory_space<vmem_shared>>) target(%dma_start3A_22 : memref<640x32xf32, #tpu.memory_space<hbm>>) target_semaphore(%run_scoped3A : memref<!tpu.dma_semaphore, #tpu.memory_space<semaphore_mem>>)
      %dma_wait3A = arith.constant 0 : i32
      %dma_wait3A_25 = arith.constant 0 : i32
      %dma_wait3A_26 = tpu.memref_slice %arg5[%arg0, %dma_wait3A, %dma_wait3A_25] : memref<2x10240x32xf32, #tpu.memory_space<hbm>> -> memref<1x10240x32xf32, #tpu.memory_space<hbm>>
      %dma_wait3A_27 = tpu.memref_squeeze %dma_wait3A_26 : memref<1x10240x32xf32, #tpu.memory_space<hbm>> -> memref<10240x32xf32, #tpu.memory_space<hbm>>
      %dma_wait3A_28 = arith.constant 0 : i32
      %dma_wait3A_29 = tpu.memref_slice %dma_wait3A_27[%mul3A_0, %dma_wait3A_28] : memref<10240x32xf32, #tpu.memory_space<hbm>> -> memref<640x32xf32, #tpu.memory_space<hbm>>
      %dma_wait3A_30 = arith.constant 0 : i32
      %dma_wait3A_31 = tpu.memref_slice %arg10[%mul3A_0, %dma_wait3A_30] : memref<10240x32xf32, #tpu.memory_space<vmem_shared>> -> memref<640x32xf32, #tpu.memory_space<vmem_shared>>
      tpu.wait_dma2 semaphore(%run_scoped3A : memref<!tpu.dma_semaphore, #tpu.memory_space<semaphore_mem>>) src(%dma_wait3A_31 : memref<640x32xf32, #tpu.memory_space<vmem_shared>>) dst(%dma_wait3A_29 : memref<640x32xf32, #tpu.memory_space<hbm>>)
      tpu.yield
    }) : () -> ()
    return
  }
}

module attributes {stable_mosaic.version = 14 : i64} {
  func.func @_mm_scale_body(%arg0: i32, %arg1: memref<1024x128xf32, #tpu.memory_space<vmem>>, %arg2: memref<128x128xf32, #tpu.memory_space<vmem>>, %arg3: memref<2x1024x16xf32, #tpu.memory_space<vmem>>, %arg4: memref<2x1024x64xf32, #tpu.memory_space<vmem>>) attributes {dimension_semantics = [#tpu.dimension_semantics<arbitrary>], iteration_bounds = array<i64: 10>, scalar_prefetch = 0 : i64, scratch_operands = 0 : i64, tpu.core_type = #tpu.core_type<tc>, window_params = [{transform_indices = @transform_0, window_bounds = array<i64: 1024, 128>}, {pipeline_mode = #tpu.pipeline_mode<synchronous>, transform_indices = @transform_1, window_bounds = array<i64: 128, 128>}, {transform_indices = @transform_2, window_bounds = array<i64: 2, 1024, 16>}, {transform_indices = @transform_3, window_bounds = array<i64: 2, 1024, 64>}]} {
    %get3A = arith.constant 0 : index
    %get3A_0 = arith.constant 0 : index
    %get3A_1 = arith.constant 0 : index
    %get3A_2 = vector.load %arg3[%get3A, %get3A_0, %get3A_1] : memref<2x1024x16xf32, #tpu.memory_space<vmem>>, vector<2x1024x16xf32>
    %slice3A = vector.extract_strided_slice %get3A_2 {offsets = [0, 0, 0], sizes = [1, 1024, 1], strides = [1, 1, 1]} : vector<2x1024x16xf32> to vector<1x1024x1xf32>
    %squeeze3A = vector.shape_cast %slice3A : vector<1x1024x1xf32> to vector<1024x1xf32>
    %slice3A_3 = vector.extract_strided_slice %get3A_2 {offsets = [1, 0, 0], sizes = [1, 1024, 1], strides = [1, 1, 1]} : vector<2x1024x16xf32> to vector<1x1024x1xf32>
    %squeeze3A_4 = vector.shape_cast %slice3A_3 : vector<1x1024x1xf32> to vector<1024x1xf32>
    %add3A = arith.addf %squeeze3A, %squeeze3A_4 : vector<1024x1xf32>
    %mul3A = arith.constant 1024 : i32
    %mul3A_5 = arith.muli %arg0, %mul3A : i32
    %iota3A = tpu.iota {dimensions = array<i32: 0>} : vector<1024x1xi32>
    %add3A_6 = vector.broadcast %mul3A_5 : i32 to vector<1024x1xi32>
    %add3A_7 = arith.addi %add3A_6, %iota3A : vector<1024x1xi32>
    %lt3A = arith.constant 10000 : i32
    %lt3A_8 = vector.broadcast %lt3A : i32 to vector<1024x1xi32>
    %lt3A_9 = arith.cmpi slt, %add3A_7, %lt3A_8 : vector<1024x1xi32>
    %jit3A = arith.constant 1.000000e+00 : f32
    %jit3A_10 = arith.constant 0.000000e+00 : f32
    %broadcast_in_dim3A = vector.broadcast %jit3A : f32 to vector<1024x1xf32>
    %broadcast_in_dim3A_11 = vector.broadcast %jit3A_10 : f32 to vector<1024x1xf32>
    %select_n3A = arith.select %lt3A_9, %broadcast_in_dim3A, %broadcast_in_dim3A_11 : vector<1024x1xi1>, vector<1024x1xf32>
    %add3A_12 = arith.addf %add3A, %select_n3A : vector<1024x1xf32>
    %gt3A = arith.constant 0.000000e+00 : f32
    %gt3A_13 = vector.broadcast %gt3A : f32 to vector<1024x1xf32>
    %gt3A_14 = arith.cmpf ogt, %add3A_12, %gt3A_13 : vector<1024x1xf32>
    %rsqrt3A = math.rsqrt %add3A_12 : vector<1024x1xf32>
    %jit3A_15 = arith.constant 0.000000e+00 : f32
    %broadcast_in_dim3A_16 = vector.broadcast %jit3A_15 : f32 to vector<1024x1xf32>
    %select_n3A_17 = arith.select %gt3A_14, %rsqrt3A, %broadcast_in_dim3A_16 : vector<1024x1xi1>, vector<1024x1xf32>
    %get3A_18 = arith.constant 0 : index
    %get3A_19 = arith.constant 0 : index
    %get3A_20 = vector.load %arg1[%get3A_18, %get3A_19] : memref<1024x128xf32, #tpu.memory_space<vmem>>, vector<1024x128xf32>
    %get3A_21 = arith.constant 0 : index
    %get3A_22 = arith.constant 0 : index
    %get3A_23 = vector.load %arg2[%get3A_21, %get3A_22] : memref<128x128xf32, #tpu.memory_space<vmem>>, vector<128x128xf32>
    %dot_general3A = arith.constant dense<0.000000e+00> : vector<1024x128xf32>
    %dot_general3A_24 = tpu.matmul %get3A_20, %get3A_23, %dot_general3A {dimension_numbers = #tpu.dot_dimension_numbers<[1], [0], [0], [1], [0, 0, 1, 1], [], []>, transpose_lhs_hint = false} : vector<1024x128xf32>, vector<128x128xf32>, vector<1024x128xf32> -> vector<1024x128xf32>
    %mul3A_25 = vector.broadcast %select_n3A_17 : vector<1024x1xf32> to vector<1024x128xf32>
    %mul3A_26 = arith.mulf %dot_general3A_24, %mul3A_25 : vector<1024x128xf32>
    %slice3A_27 = vector.extract_strided_slice %mul3A_26 {offsets = [0, 0], sizes = [1024, 64], strides = [1, 1]} : vector<1024x128xf32> to vector<1024x64xf32>
    %swap3A = arith.constant 0 : index
    %swap3A_28 = arith.constant 0 : index
    %swap3A_29 = arith.constant 0 : index
    %swap3A_30 = vector.load %arg4[%swap3A, %swap3A_28, %swap3A_29] : memref<2x1024x64xf32, #tpu.memory_space<vmem>>, vector<1x1024x64xf32>
    %swap3A_31 = vector.shape_cast %swap3A_30 : vector<1x1024x64xf32> to vector<1024x64xf32>
    %swap3A_32 = vector.shape_cast %slice3A_27 : vector<1024x64xf32> to vector<1x1024x64xf32>
    tpu.vector_store %arg4[%swap3A, %swap3A_28, %swap3A_29], %swap3A_32 {strides = array<i32>} : memref<2x1024x64xf32, #tpu.memory_space<vmem>>, vector<1x1024x64xf32>,
    %slice3A_33 = vector.extract_strided_slice %mul3A_26 {offsets = [0, 64], sizes = [1024, 64], strides = [1, 1]} : vector<1024x128xf32> to vector<1024x64xf32>
    %swap3A_34 = arith.constant 1 : index
    %swap3A_35 = arith.constant 0 : index
    %swap3A_36 = arith.constant 0 : index
    %swap3A_37 = vector.load %arg4[%swap3A_34, %swap3A_35, %swap3A_36] : memref<2x1024x64xf32, #tpu.memory_space<vmem>>, vector<1x1024x64xf32>
    %swap3A_38 = vector.shape_cast %swap3A_37 : vector<1x1024x64xf32> to vector<1024x64xf32>
    %swap3A_39 = vector.shape_cast %slice3A_33 : vector<1024x64xf32> to vector<1x1024x64xf32>
    tpu.vector_store %arg4[%swap3A_34, %swap3A_35, %swap3A_36], %swap3A_39 {strides = array<i32>} : memref<2x1024x64xf32, #tpu.memory_space<vmem>>, vector<1x1024x64xf32>,
    return
  }
  func.func @transform_0(%arg0: i32) -> (i32, i32) {
    %c0_i32 = arith.constant 0 : i32
    %c0_i32_0 = arith.constant 0 : i32
    return %arg0, %c0_i32 : i32, i32
  }
  func.func @transform_1(%arg0: i32) -> (i32, i32) {
    %c0_i32 = arith.constant 0 : i32
    %c0_i32_0 = arith.constant 0 : i32
    %c0_i32_1 = arith.constant 0 : i32
    return %c0_i32, %c0_i32_0 : i32, i32
  }
  func.func @transform_2(%arg0: i32) -> (i32, i32, i32) {
    %c0_i32 = arith.constant 0 : i32
    %c0_i32_0 = arith.constant 0 : i32
    %c0_i32_1 = arith.constant 0 : i32
    return %c0_i32, %arg0, %c0_i32_0 : i32, i32, i32
  }
  func.func @transform_3(%arg0: i32) -> (i32, i32, i32) {
    %c0_i32 = arith.constant 0 : i32
    %c0_i32_0 = arith.constant 0 : i32
    %c0_i32_1 = arith.constant 0 : i32
    return %c0_i32, %arg0, %c0_i32_0 : i32, i32, i32
  }
}

module attributes {stable_mosaic.version = 14 : i64} {
  func.func @_layer_body(%arg0: i32, %arg1: memref<2x1024x64xf32, #tpu.memory_space<vmem>>, %arg2: memref<2x1024x16xf32, #tpu.memory_space<vmem>>, %arg3: memref<1x1x128xf32, #tpu.memory_space<vmem>>, %arg4: memref<2x64x64xf32, #tpu.memory_space<vmem>>, %arg5: memref<2x1024x32xf32, #tpu.memory_space<vmem>>) attributes {dimension_semantics = [#tpu.dimension_semantics<arbitrary>], iteration_bounds = array<i64: 10>, scalar_prefetch = 0 : i64, scratch_operands = 0 : i64, tpu.core_type = #tpu.core_type<tc>, window_params = [{transform_indices = @transform_0, window_bounds = array<i64: 2, 1024, 64>}, {transform_indices = @transform_1, window_bounds = array<i64: 2, 1024, 16>}, {pipeline_mode = #tpu.pipeline_mode<synchronous>, transform_indices = @transform_2, window_bounds = array<i64: 1, 1, 128>}, {pipeline_mode = #tpu.pipeline_mode<synchronous>, transform_indices = @transform_3, window_bounds = array<i64: 2, 64, 64>}, {transform_indices = @transform_4, window_bounds = array<i64: 2, 1024, 32>}]} {
    %get3A = arith.constant 0 : index
    %get3A_0 = arith.constant 0 : index
    %get3A_1 = arith.constant 0 : index
    %get3A_2 = vector.load %arg2[%get3A, %get3A_0, %get3A_1] : memref<2x1024x16xf32, #tpu.memory_space<vmem>>, vector<2x1024x16xf32>
    %slice3A = vector.extract_strided_slice %get3A_2 {offsets = [0, 0, 0], sizes = [1, 1024, 1], strides = [1, 1, 1]} : vector<2x1024x16xf32> to vector<1x1024x1xf32>
    %squeeze3A = vector.shape_cast %slice3A : vector<1x1024x1xf32> to vector<1024x1xf32>
    %slice3A_3 = vector.extract_strided_slice %get3A_2 {offsets = [1, 0, 0], sizes = [1, 1024, 1], strides = [1, 1, 1]} : vector<2x1024x16xf32> to vector<1x1024x1xf32>
    %squeeze3A_4 = vector.shape_cast %slice3A_3 : vector<1x1024x1xf32> to vector<1024x1xf32>
    %add3A = arith.addf %squeeze3A, %squeeze3A_4 : vector<1024x1xf32>
    %mul3A = arith.constant 1024 : i32
    %mul3A_5 = arith.muli %arg0, %mul3A : i32
    %iota3A = tpu.iota {dimensions = array<i32: 0>} : vector<1024x1xi32>
    %add3A_6 = vector.broadcast %mul3A_5 : i32 to vector<1024x1xi32>
    %add3A_7 = arith.addi %add3A_6, %iota3A : vector<1024x1xi32>
    %lt3A = arith.constant 10000 : i32
    %lt3A_8 = vector.broadcast %lt3A : i32 to vector<1024x1xi32>
    %lt3A_9 = arith.cmpi slt, %add3A_7, %lt3A_8 : vector<1024x1xi32>
    %jit3A = arith.constant 1.000000e+00 : f32
    %jit3A_10 = arith.constant 0.000000e+00 : f32
    %broadcast_in_dim3A = vector.broadcast %jit3A : f32 to vector<1024x1xf32>
    %broadcast_in_dim3A_11 = vector.broadcast %jit3A_10 : f32 to vector<1024x1xf32>
    %select_n3A = arith.select %lt3A_9, %broadcast_in_dim3A, %broadcast_in_dim3A_11 : vector<1024x1xi1>, vector<1024x1xf32>
    %add3A_12 = arith.addf %add3A, %select_n3A : vector<1024x1xf32>
    %gt3A = arith.constant 0.000000e+00 : f32
    %gt3A_13 = vector.broadcast %gt3A : f32 to vector<1024x1xf32>
    %gt3A_14 = arith.cmpf ogt, %add3A_12, %gt3A_13 : vector<1024x1xf32>
    %rsqrt3A = math.rsqrt %add3A_12 : vector<1024x1xf32>
    %jit3A_15 = arith.constant 0.000000e+00 : f32
    %broadcast_in_dim3A_16 = vector.broadcast %jit3A_15 : f32 to vector<1024x1xf32>
    %select_n3A_17 = arith.select %gt3A_14, %rsqrt3A, %broadcast_in_dim3A_16 : vector<1024x1xi1>, vector<1024x1xf32>
    %get3A_18 = arith.constant 0 : index
    %get3A_19 = arith.constant 0 : index
    %get3A_20 = arith.constant 0 : index
    %get3A_21 = vector.load %arg1[%get3A_18, %get3A_19, %get3A_20] : memref<2x1024x64xf32, #tpu.memory_space<vmem>>, vector<1x1024x64xf32>
    %get3A_22 = vector.shape_cast %get3A_21 : vector<1x1024x64xf32> to vector<1024x64xf32>
    %mul3A_23 = vector.broadcast %select_n3A_17 : vector<1024x1xf32> to vector<1024x64xf32>
    %mul3A_24 = arith.mulf %get3A_22, %mul3A_23 : vector<1024x64xf32>
    %get3A_25 = arith.constant 0 : index
    %get3A_26 = arith.constant 0 : index
    %get3A_27 = arith.constant 0 : index
    %get3A_28 = vector.load %arg3[%get3A_25, %get3A_26, %get3A_27] : memref<1x1x128xf32, #tpu.memory_space<vmem>>, vector<1x1x64xf32>
    %get3A_29 = vector.shape_cast %get3A_28 : vector<1x1x64xf32> to vector<1x64xf32>
    %add3A_30 = vector.broadcast %get3A_29 : vector<1x64xf32> to vector<1024x64xf32>
    %add3A_31 = arith.addf %mul3A_24, %add3A_30 : vector<1024x64xf32>
    %max3A = arith.constant 0.000000e+00 : f32
    %max3A_32 = vector.broadcast %max3A : f32 to vector<1024x64xf32>
    %max3A_33 = arith.maximumf %add3A_31, %max3A_32 : vector<1024x64xf32>
    %get3A_34 = arith.constant 1 : index
    %get3A_35 = arith.constant 0 : index
    %get3A_36 = arith.constant 0 : index
    %get3A_37 = vector.load %arg1[%get3A_34, %get3A_35, %get3A_36] : memref<2x1024x64xf32, #tpu.memory_space<vmem>>, vector<1x1024x64xf32>
    %get3A_38 = vector.shape_cast %get3A_37 : vector<1x1024x64xf32> to vector<1024x64xf32>
    %mul3A_39 = vector.broadcast %select_n3A_17 : vector<1024x1xf32> to vector<1024x64xf32>
    %mul3A_40 = arith.mulf %get3A_38, %mul3A_39 : vector<1024x64xf32>
    %get3A_41 = arith.constant 0 : index
    %get3A_42 = arith.constant 0 : index
    %get3A_43 = arith.constant 64 : index
    %get3A_44 = vector.load %arg3[%get3A_41, %get3A_42, %get3A_43] : memref<1x1x128xf32, #tpu.memory_space<vmem>>, vector<1x1x64xf32>
    %get3A_45 = vector.shape_cast %get3A_44 : vector<1x1x64xf32> to vector<1x64xf32>
    %add3A_46 = vector.broadcast %get3A_45 : vector<1x64xf32> to vector<1024x64xf32>
    %add3A_47 = arith.addf %mul3A_40, %add3A_46 : vector<1024x64xf32>
    %max3A_48 = arith.constant 0.000000e+00 : f32
    %max3A_49 = vector.broadcast %max3A_48 : f32 to vector<1024x64xf32>
    %max3A_50 = arith.maximumf %add3A_47, %max3A_49 : vector<1024x64xf32>
    %get3A_51 = arith.constant 0 : index
    %get3A_52 = arith.constant 0 : index
    %get3A_53 = arith.constant 0 : index
    %get3A_54 = vector.load %arg4[%get3A_51, %get3A_52, %get3A_53] : memref<2x64x64xf32, #tpu.memory_space<vmem>>, vector<1x64x64xf32>
    %get3A_55 = vector.shape_cast %get3A_54 : vector<1x64x64xf32> to vector<64x64xf32>
    %dot_general3A = arith.constant dense<0.000000e+00> : vector<1024x64xf32>
    %dot_general3A_56 = tpu.matmul %max3A_33, %get3A_55, %dot_general3A {dimension_numbers = #tpu.dot_dimension_numbers<[1], [0], [0], [1], [0, 0, 1, 1], [], []>, transpose_lhs_hint = false} : vector<1024x64xf32>, vector<64x64xf32>, vector<1024x64xf32> -> vector<1024x64xf32>
    %get3A_57 = arith.constant 1 : index
    %get3A_58 = arith.constant 0 : index
    %get3A_59 = arith.constant 0 : index
    %get3A_60 = vector.load %arg4[%get3A_57, %get3A_58, %get3A_59] : memref<2x64x64xf32, #tpu.memory_space<vmem>>, vector<1x64x64xf32>
    %get3A_61 = vector.shape_cast %get3A_60 : vector<1x64x64xf32> to vector<64x64xf32>
    %dot_general3A_62 = arith.constant dense<0.000000e+00> : vector<1024x64xf32>
    %dot_general3A_63 = tpu.matmul %max3A_50, %get3A_61, %dot_general3A_62 {dimension_numbers = #tpu.dot_dimension_numbers<[1], [0], [0], [1], [0, 0, 1, 1], [], []>, transpose_lhs_hint = false} : vector<1024x64xf32>, vector<64x64xf32>, vector<1024x64xf32> -> vector<1024x64xf32>
    %add3A_64 = arith.addf %dot_general3A_56, %dot_general3A_63 : vector<1024x64xf32>
    %mul3A_65 = vector.broadcast %select_n3A_17 : vector<1024x1xf32> to vector<1024x64xf32>
    %mul3A_66 = arith.mulf %add3A_64, %mul3A_65 : vector<1024x64xf32>
    %slice3A_67 = vector.extract_strided_slice %mul3A_66 {offsets = [0, 0], sizes = [1024, 32], strides = [1, 1]} : vector<1024x64xf32> to vector<1024x32xf32>
    %swap3A = arith.constant 0 : index
    %swap3A_68 = arith.constant 0 : index
    %swap3A_69 = arith.constant 0 : index
    %swap3A_70 = vector.load %arg5[%swap3A, %swap3A_68, %swap3A_69] : memref<2x1024x32xf32, #tpu.memory_space<vmem>>, vector<1x1024x32xf32>
    %swap3A_71 = vector.shape_cast %swap3A_70 : vector<1x1024x32xf32> to vector<1024x32xf32>
    %swap3A_72 = vector.shape_cast %slice3A_67 : vector<1024x32xf32> to vector<1x1024x32xf32>
    tpu.vector_store %arg5[%swap3A, %swap3A_68, %swap3A_69], %swap3A_72 {strides = array<i32>} : memref<2x1024x32xf32, #tpu.memory_space<vmem>>, vector<1x1024x32xf32>,
    %slice3A_73 = vector.extract_strided_slice %mul3A_66 {offsets = [0, 32], sizes = [1024, 32], strides = [1, 1]} : vector<1024x64xf32> to vector<1024x32xf32>
    %swap3A_74 = arith.constant 1 : index
    %swap3A_75 = arith.constant 0 : index
    %swap3A_76 = arith.constant 0 : index
    %swap3A_77 = vector.load %arg5[%swap3A_74, %swap3A_75, %swap3A_76] : memref<2x1024x32xf32, #tpu.memory_space<vmem>>, vector<1x1024x32xf32>
    %swap3A_78 = vector.shape_cast %swap3A_77 : vector<1x1024x32xf32> to vector<1024x32xf32>
    %swap3A_79 = vector.shape_cast %slice3A_73 : vector<1024x32xf32> to vector<1x1024x32xf32>
    tpu.vector_store %arg5[%swap3A_74, %swap3A_75, %swap3A_76], %swap3A_79 {strides = array<i32>} : memref<2x1024x32xf32, #tpu.memory_space<vmem>>, vector<1x1024x32xf32>,
    return
  }
  func.func @transform_0(%arg0: i32) -> (i32, i32, i32) {
    %c0_i32 = arith.constant 0 : i32
    %c0_i32_0 = arith.constant 0 : i32
    %c0_i32_1 = arith.constant 0 : i32
    return %c0_i32, %arg0, %c0_i32_0 : i32, i32, i32
  }
  func.func @transform_1(%arg0: i32) -> (i32, i32, i32) {
    %c0_i32 = arith.constant 0 : i32
    %c0_i32_0 = arith.constant 0 : i32
    %c0_i32_1 = arith.constant 0 : i32
    return %c0_i32, %arg0, %c0_i32_0 : i32, i32, i32
  }
  func.func @transform_2(%arg0: i32) -> (i32, i32, i32) {
    %c0_i32 = arith.constant 0 : i32
    %c0_i32_0 = arith.constant 0 : i32
    %c0_i32_1 = arith.constant 0 : i32
    %c0_i32_2 = arith.constant 0 : i32
    return %c0_i32, %c0_i32_0, %c0_i32_1 : i32, i32, i32
  }
  func.func @transform_3(%arg0: i32) -> (i32, i32, i32) {
    %c0_i32 = arith.constant 0 : i32
    %c0_i32_0 = arith.constant 0 : i32
    %c0_i32_1 = arith.constant 0 : i32
    %c0_i32_2 = arith.constant 0 : i32
    return %c0_i32, %c0_i32_0, %c0_i32_1 : i32, i32, i32
  }
  func.func @transform_4(%arg0: i32) -> (i32, i32, i32) {
    %c0_i32 = arith.constant 0 : i32
    %c0_i32_0 = arith.constant 0 : i32
    %c0_i32_1 = arith.constant 0 : i32
    return %c0_i32, %arg0, %c0_i32_0 : i32, i32, i32
  }
}

module attributes {stable_mosaic.version = 14 : i64} {
  func.func @_final_h_body(%arg0: i32, %arg1: memref<2x1024x32xf32, #tpu.memory_space<vmem>>, %arg2: memref<2x1024x16xf32, #tpu.memory_space<vmem>>, %arg3: memref<1x1x64xf32, #tpu.memory_space<vmem>>, %arg4: memref<1024x64xf32, #tpu.memory_space<vmem>>) attributes {dimension_semantics = [#tpu.dimension_semantics<arbitrary>], iteration_bounds = array<i64: 10>, scalar_prefetch = 0 : i64, scratch_operands = 0 : i64, tpu.core_type = #tpu.core_type<tc>, window_params = [{transform_indices = @transform_0, window_bounds = array<i64: 2, 1024, 32>}, {transform_indices = @transform_1, window_bounds = array<i64: 2, 1024, 16>}, {pipeline_mode = #tpu.pipeline_mode<synchronous>, transform_indices = @transform_2, window_bounds = array<i64: 1, 1, 64>}, {transform_indices = @transform_3, window_bounds = array<i64: 1024, 64>}]} {
    %get3A = arith.constant 0 : index
    %get3A_0 = arith.constant 0 : index
    %get3A_1 = arith.constant 0 : index
    %get3A_2 = vector.load %arg2[%get3A, %get3A_0, %get3A_1] : memref<2x1024x16xf32, #tpu.memory_space<vmem>>, vector<2x1024x16xf32>
    %slice3A = vector.extract_strided_slice %get3A_2 {offsets = [0, 0, 0], sizes = [1, 1024, 1], strides = [1, 1, 1]} : vector<2x1024x16xf32> to vector<1x1024x1xf32>
    %squeeze3A = vector.shape_cast %slice3A : vector<1x1024x1xf32> to vector<1024x1xf32>
    %slice3A_3 = vector.extract_strided_slice %get3A_2 {offsets = [1, 0, 0], sizes = [1, 1024, 1], strides = [1, 1, 1]} : vector<2x1024x16xf32> to vector<1x1024x1xf32>
    %squeeze3A_4 = vector.shape_cast %slice3A_3 : vector<1x1024x1xf32> to vector<1024x1xf32>
    %add3A = arith.addf %squeeze3A, %squeeze3A_4 : vector<1024x1xf32>
    %mul3A = arith.constant 1024 : i32
    %mul3A_5 = arith.muli %arg0, %mul3A : i32
    %iota3A = tpu.iota {dimensions = array<i32: 0>} : vector<1024x1xi32>
    %add3A_6 = vector.broadcast %mul3A_5 : i32 to vector<1024x1xi32>
    %add3A_7 = arith.addi %add3A_6, %iota3A : vector<1024x1xi32>
    %lt3A = arith.constant 10000 : i32
    %lt3A_8 = vector.broadcast %lt3A : i32 to vector<1024x1xi32>
    %lt3A_9 = arith.cmpi slt, %add3A_7, %lt3A_8 : vector<1024x1xi32>
    %jit3A = arith.constant 1.000000e+00 : f32
    %jit3A_10 = arith.constant 0.000000e+00 : f32
    %broadcast_in_dim3A = vector.broadcast %jit3A : f32 to vector<1024x1xf32>
    %broadcast_in_dim3A_11 = vector.broadcast %jit3A_10 : f32 to vector<1024x1xf32>
    %select_n3A = arith.select %lt3A_9, %broadcast_in_dim3A, %broadcast_in_dim3A_11 : vector<1024x1xi1>, vector<1024x1xf32>
    %add3A_12 = arith.addf %add3A, %select_n3A : vector<1024x1xf32>
    %gt3A = arith.constant 0.000000e+00 : f32
    %gt3A_13 = vector.broadcast %gt3A : f32 to vector<1024x1xf32>
    %gt3A_14 = arith.cmpf ogt, %add3A_12, %gt3A_13 : vector<1024x1xf32>
    %rsqrt3A = math.rsqrt %add3A_12 : vector<1024x1xf32>
    %jit3A_15 = arith.constant 0.000000e+00 : f32
    %broadcast_in_dim3A_16 = vector.broadcast %jit3A_15 : f32 to vector<1024x1xf32>
    %select_n3A_17 = arith.select %gt3A_14, %rsqrt3A, %broadcast_in_dim3A_16 : vector<1024x1xi1>, vector<1024x1xf32>
    %get3A_18 = arith.constant 0 : index
    %get3A_19 = arith.constant 0 : index
    %get3A_20 = arith.constant 0 : index
    %get3A_21 = vector.load %arg1[%get3A_18, %get3A_19, %get3A_20] : memref<2x1024x32xf32, #tpu.memory_space<vmem>>, vector<1x1024x32xf32>
    %get3A_22 = vector.shape_cast %get3A_21 : vector<1x1024x32xf32> to vector<1024x32xf32>
    %mul3A_23 = vector.broadcast %select_n3A_17 : vector<1024x1xf32> to vector<1024x32xf32>
    %mul3A_24 = arith.mulf %get3A_22, %mul3A_23 : vector<1024x32xf32>
    %get3A_25 = arith.constant 0 : index
    %get3A_26 = arith.constant 0 : index
    %get3A_27 = arith.constant 0 : index
    %get3A_28 = vector.load %arg3[%get3A_25, %get3A_26, %get3A_27] : memref<1x1x64xf32, #tpu.memory_space<vmem>>, vector<1x1x32xf32>
    %get3A_29 = vector.shape_cast %get3A_28 : vector<1x1x32xf32> to vector<1x32xf32>
    %add3A_30 = vector.broadcast %get3A_29 : vector<1x32xf32> to vector<1024x32xf32>
    %add3A_31 = arith.addf %mul3A_24, %add3A_30 : vector<1024x32xf32>
    %swap3A = arith.constant 0 : index
    %swap3A_32 = arith.constant 0 : index
    %swap3A_33 = vector.load %arg4[%swap3A, %swap3A_32] : memref<1024x64xf32, #tpu.memory_space<vmem>>, vector<1024x32xf32>
    tpu.vector_store %arg4[%swap3A, %swap3A_32], %add3A_31 {strides = array<i32>} : memref<1024x64xf32, #tpu.memory_space<vmem>>, vector<1024x32xf32>,
    %get3A_34 = arith.constant 1 : index
    %get3A_35 = arith.constant 0 : index
    %get3A_36 = arith.constant 0 : index
    %get3A_37 = vector.load %arg1[%get3A_34, %get3A_35, %get3A_36] : memref<2x1024x32xf32, #tpu.memory_space<vmem>>, vector<1x1024x32xf32>
    %get3A_38 = vector.shape_cast %get3A_37 : vector<1x1024x32xf32> to vector<1024x32xf32>
    %mul3A_39 = vector.broadcast %select_n3A_17 : vector<1024x1xf32> to vector<1024x32xf32>
    %mul3A_40 = arith.mulf %get3A_38, %mul3A_39 : vector<1024x32xf32>
    %get3A_41 = arith.constant 0 : index
    %get3A_42 = arith.constant 0 : index
    %get3A_43 = arith.constant 32 : index
    %get3A_44 = vector.load %arg3[%get3A_41, %get3A_42, %get3A_43] : memref<1x1x64xf32, #tpu.memory_space<vmem>>, vector<1x1x32xf32>
    %get3A_45 = vector.shape_cast %get3A_44 : vector<1x1x32xf32> to vector<1x32xf32>
    %add3A_46 = vector.broadcast %get3A_45 : vector<1x32xf32> to vector<1024x32xf32>
    %add3A_47 = arith.addf %mul3A_40, %add3A_46 : vector<1024x32xf32>
    %swap3A_48 = arith.constant 0 : index
    %swap3A_49 = arith.constant 32 : index
    %swap3A_50 = vector.load %arg4[%swap3A_48, %swap3A_49] : memref<1024x64xf32, #tpu.memory_space<vmem>>, vector<1024x32xf32>
    tpu.vector_store %arg4[%swap3A_48, %swap3A_49], %add3A_47 {strides = array<i32>} : memref<1024x64xf32, #tpu.memory_space<vmem>>, vector<1024x32xf32>,
    return
  }
  func.func @transform_0(%arg0: i32) -> (i32, i32, i32) {
    %c0_i32 = arith.constant 0 : i32
    %c0_i32_0 = arith.constant 0 : i32
    %c0_i32_1 = arith.constant 0 : i32
    return %c0_i32, %arg0, %c0_i32_0 : i32, i32, i32
  }
  func.func @transform_1(%arg0: i32) -> (i32, i32, i32) {
    %c0_i32 = arith.constant 0 : i32
    %c0_i32_0 = arith.constant 0 : i32
    %c0_i32_1 = arith.constant 0 : i32
    return %c0_i32, %arg0, %c0_i32_0 : i32, i32, i32
  }
  func.func @transform_2(%arg0: i32) -> (i32, i32, i32) {
    %c0_i32 = arith.constant 0 : i32
    %c0_i32_0 = arith.constant 0 : i32
    %c0_i32_1 = arith.constant 0 : i32
    %c0_i32_2 = arith.constant 0 : i32
    return %c0_i32, %c0_i32_0, %c0_i32_1 : i32, i32, i32
  }
  func.func @transform_3(%arg0: i32) -> (i32, i32) {
    %c0_i32 = arith.constant 0 : i32
    %c0_i32_0 = arith.constant 0 : i32
    return %arg0, %c0_i32 : i32, i32
  }
}

module attributes {stable_mosaic.version = 14 : i64} {
  func.func @_nt_body(%arg0: i32, %arg1: i32, %arg2: memref<512x64xf32, #tpu.memory_space<vmem>>, %arg3: memref<4096x64xf32, #tpu.memory_space<vmem>>, %arg4: memref<512x4096xf32, #tpu.memory_space<vmem>>) attributes {dimension_semantics = [#tpu.dimension_semantics<arbitrary>, #tpu.dimension_semantics<arbitrary>], iteration_bounds = array<i64: 4, 3>, scalar_prefetch = 0 : i64, scratch_operands = 0 : i64, tpu.core_type = #tpu.core_type<tc>, window_params = [{transform_indices = @transform_0, window_bounds = array<i64: 512, 64>}, {transform_indices = @transform_1, window_bounds = array<i64: 4096, 64>}, {transform_indices = @transform_2, window_bounds = array<i64: 512, 4096>}]} {
    %get3A = arith.constant 0 : index
    %get3A_0 = arith.constant 0 : index
    %get3A_1 = vector.load %arg2[%get3A, %get3A_0] : memref<512x64xf32, #tpu.memory_space<vmem>>, vector<512x64xf32>
    %get3A_2 = arith.constant 0 : index
    %get3A_3 = arith.constant 0 : index
    %get3A_4 = vector.load %arg3[%get3A_2, %get3A_3] : memref<4096x64xf32, #tpu.memory_space<vmem>>, vector<4096x64xf32>
    %dot_general3A = arith.constant dense<0.000000e+00> : vector<512x4096xf32>
    %dot_general3A_5 = tpu.matmul %get3A_1, %get3A_4, %dot_general3A {dimension_numbers = #tpu.dot_dimension_numbers<[1], [1], [0], [0], [0, 0, 1, 0], [], []>, transpose_lhs_hint = false} : vector<512x64xf32>, vector<4096x64xf32>, vector<512x4096xf32> -> vector<512x4096xf32>
    %swap3A = arith.constant 0 : index
    %swap3A_6 = arith.constant 0 : index
    %swap3A_7 = vector.load %arg4[%swap3A, %swap3A_6] : memref<512x4096xf32, #tpu.memory_space<vmem>>, vector<512x4096xf32>
    tpu.vector_store %arg4[%swap3A, %swap3A_6], %dot_general3A_5 {strides = array<i32>} : memref<512x4096xf32, #tpu.memory_space<vmem>>, vector<512x4096xf32>,
    return
  }
  func.func @transform_0(%arg0: i32, %arg1: i32) -> (i32, i32) {
    %c0_i32 = arith.constant 0 : i32
    %c0_i32_0 = arith.constant 0 : i32
    return %arg0, %c0_i32 : i32, i32
  }
  func.func @transform_1(%arg0: i32, %arg1: i32) -> (i32, i32) {
    %c0_i32 = arith.constant 0 : i32
    %c0_i32_0 = arith.constant 0 : i32
    return %arg1, %c0_i32 : i32, i32
  }
  func.func @transform_2(%arg0: i32, %arg1: i32) -> (i32, i32) {
    %c0_i32 = arith.constant 0 : i32
    return %arg0, %arg1 : i32, i32
  }
}

</mosaic_0001>

<sc_bundles>
// kernel: kernel.12.cloned.1.call-start
scs
__scs_entry_jumppad:
0x0: {  	(pc) =	sbr.rel $0x88, $3  }
0x1: {  	(tag) =	ssettag $0x0;
	lr =	simm.s32 $0x1  }
0x2: {  	[smem:$0x3F9B] =	sst lr;
	_ =	strace $0xD0000000  }
0x3: {  	_ = 	snop  }
0x4: {  	_ = 	snop  }
0x5: {  	_ = 	snop  }
0x6: {  	_ = 	snop  }
0x7: {  	_ = 	snop  }
__scs_overlays_trampoline_lowered:
0x8: {  	[smem:$0x3FAA] =	sst s0  }
0x9: {  	[smem:$0x3FAB] =	sst s1  }
0xa: {  	[smem:$0x3FAC] =	sst s2  }
0xb: {  	[smem:$0x3FAD] =	sst s3  }
0xc: {  	[smem:$0x3FAE] =	sst s4  }
0xd: {  	[smem:$0x3FAF] =	sst s5  }
0xe: {  	[smem:$0x3FB0] =	sst s6  }
0xf: {  	[smem:$0x3FB1] =	sst s7  }
0x10: {  	[smem:$0x3FB2] =	sst s8  }
0x11: {  	[smem:$0x3FB3] =	sst s9;
	s0 =	simm.s32 @!p0 $0x0  }
0x12: {  	s1 =	sld [smem:$0x3F99];
	s0 =	simm.s32 @p0 $0x1  }
0x13: {  	[smem:$0x3FB4] =	sst s0;
	s0 =	simm.s32 @!p1 $0x0  }
0x14: {  	s2 =	sld [smem:$0x3F98];
	s0 =	simm.s32 @p1 $0x1  }
0x15: {  	[smem:$0x3FB5] =	sst s0;
	s0 =	simm.s32 @!p2 $0x0  }
0x16: {  	s3 =	sld [smem:$0x3FDB];
	s0 =	simm.s32 @p2 $0x1  }
0x17: {  	s4 =	simm.s32 $0x1BF5;
	[smem:$0x3FB7] =	sst s0  }
0x18: {  	s0 =	sld [smem:$0x3F9A];
	_ =	swait.ge [sflag:s4], $0x0  }
0x19: {  	s7 =	sld [smem:$0x3F9B]  }
0x1a: {  	s8 =	sadd.s32 $0xFFFFE003, lr  }
0x1b: {  	s9 =	sadd.s32 $0xFFFFFEF7, lr;
	s5 =	simm.s32 $0xFFFFFFFF;
	p2 =	slt.u32 s8, $0xFFFFF086  }
0x1c: {  	p1 =	slt.u32 s9, $0xF7A;
	s5 =	simm.s32 @!p2 $0x0  }
0x1d: {  	s5 =	simm.s32 @p1 $0x1;
	p0 =	seq.s32 s7, s2  }
0x1e: {  	s7 =	smul.u32 @!p0 $0xF7A, s2;
	p2 =	seq.s32 @!p0 s5, $0x0  }
0x1f: {  	s9 =	smul.u32 $0xF7A, s1;
	s8 =	simm.s32 @!p0 $0x1BF5;
	p2 =	por !p2, p0  }
0x20: {  	[sflag:s8] =	ssyncset.s32 @!p0 $0xFFFFF086;
	s6 =	sadd.s32 @!p0 s3, s7;
	s7 =	simm.s32 @!p0 $0x108  }
0x21: {  	s3 =	sadd.s32 s3, s9;
	s6 =	sadd.s32 @!p0 $0x88, s6;
	s7 =	simm.s32 @p2 $0x1082  }
0x22: {  	[simem:s7], [sflag:s8] =	dma.local @!p0 [hbm:s6], $0xF7A  }
0x23: {  	s9 =	sor.u32 $0xD0000000, s2;
	s6 =	simm.s32 $0x108;
	_ =	swait.ge @!p0 [sflag:s8], $0x0  }
0x24: {  	s3 =	sadd.s32 $0x88, s3;
	s6 =	simm.s32 @!p1 $0x1082;
	[sflag:s4] =	ssyncset.s32 $0xFFFFF086  }
0x25: {  	[simem:s6], [sflag:s4] =	dma.local [hbm:s3], $0xF7A  }
0x26: {  	[smem:$0x3F9B] =	sst s1;
	(tag) =	ssettag s2;
	_ =	strace s9  }
0x27: {  	s1 =	sld [smem:$0x3FAB]  }
0x28: {  	s2 =	sld [smem:$0x3FAC]  }
0x29: {  	s4 =	sld [smem:$0x3FAE]  }
0x2a: {  	p0 =	seq.s32 s5, $0x0;
	s5 =	sld [smem:$0x3FAF]  }
0x2b: {  	s6 =	sld [smem:$0x3FB0]  }
0x2c: {  	s7 =	sld [smem:$0x3FB1]  }
0x2d: {  	s3 =	simm.s32 $0x108;
	s8 =	sld [smem:$0x3FB2]  }
0x2e: {  	s3 =	simm.s32 @!p0 $0x1082;
	s9 =	sld [smem:$0x3FB3]  }
0x2f: {  	lr =	sadd.s32 s0, s3;
	s0 =	sld [smem:$0x3FAA]  }
0x30: {  	s3 =	sld [smem:$0x3FAD]  }
0x31: {  	[smem:$0x3FB6] =	sst s10  }
0x32: {  	s10 =	sld [smem:$0x3FB4];
	_ =	sdelay $0x3  }
0x33: {  	p0 =	seq.s32 s10, $0x1;
	s10 =	sld [smem:$0x3FB6];
	_ =	sdelay $0x3  }
0x34: {  	[smem:$0x3FB6] =	sst s10  }
0x35: {  	s10 =	sld [smem:$0x3FB5];
	_ =	sdelay $0x3  }
0x36: {  	p1 =	seq.s32 s10, $0x1;
	s10 =	sld [smem:$0x3FB6];
	_ =	sdelay $0x3  }
0x37: {  	[smem:$0x3FB6] =	sst s10  }
0x38: {  	s10 =	sld [smem:$0x3FB7]  }
0x39: {  	_ = 	snop;
	(pc) =	sbr.ind lr, $3  }
0x3a: {  	_ = 	snop  }
0x3b: {  	_ = 	snop  }
0x3c: {  	p2 =	seq.s32 s10, $0x1;
	s10 =	sld [smem:$0x3FB6]  }
0x3d: {  	_ =	shalt  }
0x3e: {  	_ =	shalt  }
0x3f: {  	_ =	shalt  }
0x40: {  	_ =	shalt  }
0x41: {  	_ =	shalt  }
0x42: {  	_ =	shalt  }
0x43: {  	_ =	shalt  }
0x44: {  	_ =	shalt  }
0x45: {  	_ =	shalt  }
0x46: {  	_ =	shalt  }
0x47: {  	_ =	shalt  }
0x48: {  	_ =	shalt  }
0x49: {  	_ =	shalt  }
0x4a: {  	_ =	shalt  }
0x4b: {  	_ =	shalt  }
0x4c: {  	_ =	shalt  }
0x4d: {  	_ =	shalt  }
0x4e: {  	_ =	shalt  }
0x4f: {  	_ =	shalt  }
0x50: {  	_ =	shalt  }
0x51: {  	_ =	shalt  }
0x52: {  	_ =	shalt  }
0x53: {  	_ =	shalt  }
0x54: {  	_ =	shalt  }
0x55: {  	_ =	shalt  }
0x56: {  	_ =	shalt  }
0x57: {  	_ =	shalt  }
0x58: {  	_ =	shalt  }
0x59: {  	_ =	shalt  }
0x5a: {  	_ =	shalt  }
0x5b: {  	_ =	shalt  }
0x5c: {  	_ =	shalt  }
0x5d: {  	_ =	shalt  }
0x5e: {  	_ =	shalt  }
0x5f: {  	_ =	shalt  }
0x60: {  	_ =	shalt  }
0x61: {  	_ =	shalt  }
0x62: {  	_ =	shalt  }
0x63: {  	_ =	shalt  }
0x64: {  	_ =	shalt  }
0x65: {  	_ =	shalt  }
0x66: {  	_ =	shalt  }
0x67: {  	_ =	shalt  }
0x68: {  	_ =	shalt  }
0x69: {  	_ =	shalt  }
0x6a: {  	_ =	shalt  }
0x6b: {  	_ =	shalt  }
0x6c: {  	_ =	shalt  }
0x6d: {  	_ =	shalt  }
0x6e: {  	_ =	shalt  }
0x6f: {  	_ =	shalt  }
0x70: {  	_ =	shalt  }
0x71: {  	_ =	shalt  }
0x72: {  	_ =	shalt  }
0x73: {  	_ =	shalt  }
0x74: {  	_ =	shalt  }
0x75: {  	_ =	shalt  }
0x76: {  	_ =	shalt  }
0x77: {  	_ =	shalt  }
0x78: {  	_ =	shalt  }
0x79: {  	_ =	shalt  }
0x7a: {  	_ =	shalt  }
0x7b: {  	_ =	shalt  }
0x7c: {  	_ =	shalt  }
0x7d: {  	_ =	shalt  }
0x7e: {  	_ =	shalt  }
0x7f: {  	_ =	shalt  }
0x80: {  	_ =	shalt  }
0x81: {  	_ =	shalt  }
0x82: {  	_ =	shalt  }
0x83: {  	_ =	shalt  }
0x84: {  	_ =	shalt  }
0x85: {  	_ =	shalt  }
0x86: {  	_ =	shalt  }
0x87: {  	_ =	shalt  }
.Lfunc_end0:
.L_simem_size_0:
called_computation.1_lowered:
.L_overlay_start_0:
0x88: {  	s2 =	sld [smem:$0x3FD9]  }
0x89: {  	s3 =	sld [smem:$0x3FFE];
	_ =	sdelay $0x1  }
0x8a: {  	s1 =	srdreg.scid  }
0x8b: {  	s0 =	sand.u32 $0x1, s1  }
0x8c: {  	s16 =	sshll.u32 s0, $0xA;
	s2 =	sadd.s32 s3, s2  }
0x8d: {  	s2 =	sadd.s32 s2, s16  }
0x8e: {  	[smem:$0x3FC2] =	sst s2  }
0x8f: {  	_ = 	snop  }
0x90: {  	(tm) =	ssettm $0x1  }
0x91: {  	s17 =	sld [smem:$0x3FFB];
	_ =	sdelay $0x3  }
0x92: {  	_ =	strace s17  }
0x93: {  	s2 =	sld [smem:$0x3FFC];
	_ =	sdelay $0x3  }
0x94: {  	_ =	strace s2  }
0x95: {  	s2 =	sld [smem:$0x3FFD];
	_ =	sdelay $0x3  }
0x96: {  	_ =	strace s2  }
0x97: {  	_ =	strace $0x8FFFFFFF  }
0x98: {  	s18 =	sld [smem:$0x3FDB];
	_ =	sdelay $0x1  }
0x99: {  	s19 =	simm.s32 $_scs_section_size  }
0x9a: {  	s4 =	simm.s32 $_size__tile_overlayer_lowered;
	s5 =	simm.s32 $_tile_overlayer_lowered  }
0x9b: {  	s22 =	simm.s32 $0x1BFF;
	s21 =	sshll.u32 s5, $0x1;
	s2 =	sadd.s32 s19, s18  }
0x9c: {  	s6 =	simm.s32 $0x0;
	s20 =	sshll.u32 s4, $0x1;
	s4 =	sadd.s32 s21, s2  }
0x9d: {  	[timem:s6], [sflag:s22] =	dma.local [hbm:s4], s20  }
0x9e: {  	_ =	swait.ge [sflag:s22], s20  }
0x9f: {  	s3 =	ssub.s32 $0x0, s20;
	[sflag:s22] =	ssyncset.done $0x0  }
0xa0: {  	[sflag:s22] =	ssyncadd.s32 s3;
	_ =	sdelay $0x1  }
0xa1: {  	s23 =	simm.s32 $0x1B8B  }
0xa2: {  	_ =	swait.ge [sflag:s23], $0x1  }
0xa3: {  	[sflag:s23] =	ssyncset.done $0x0  }
0xa4: {  	s25 =	simm.s32 $0x1B8E;
	s24 =	sld [smem:$0x3FFE];
	[sflag:s23] =	ssyncadd.s32 $0xFFFFFFFF  }
0xa5: {  	s26 =	simm.s32 $execute0_lowered;
	[smem:$0x3FD2] =	sst s25  }
0xa6: {  	s4 =	sshll.u32 s26, $0x1;
	_ =	strace $0x80000049;
	[dreg:$0x1] =	wrdreg $0xFFFFFFFF  }
0xa7: {  	s28 =	simm.s32 $_size_execute0_lowered;
	s2 =	sadd.s32 s2, s4;
	[dreg:$0x0] =	wrdreg $0x0  }
0xa8: {  	s4 =	sshll.u32 s28, $0x1;
	[dreg:$0x2] =	wrdreg s2  }
0xa9: {  	[dreg:$0x3] =	wrdreg s4  }
0xaa: {  	[dreg:$0x4] =	wrdreg $0xC0  }
0xab: {  	_ =	task [dreg:s6], $0x5FFFF  }
0xac: {  	[dreg:$0x1] =	wrdreg $0xFFFFFFFF  }
0xad: {  	[dreg:$0x0] =	wrdreg $0x60  }
0xae: {  	[dreg:$0x2] =	wrdreg s24  }
0xaf: {  	[dreg:$0x3] =	wrdreg $0xDE000  }
0xb0: {  	[dreg:$0x4] =	wrdreg $0x9  }
0xb1: {  	_ =	task.clear_ibuf [dreg:s6], $0x5FFFF;
	_ =	strace $0x90000049  }
0xb2: {  	s29 =	simm.s32 $0x9;
	_ =	strace $0x8000004B  }
0xb3: {  	_ =	swait.ge [sflag:s29], $0x1  }
0xb4: {  	[sflag:s29] =	ssyncadd.s32 $0xFFFFFFFF  }
0xb5: {  	_ =	strace $0x9000004B  }
0xb6: {  	_ =	sfence  }
0xb7: {  	s30 =	sld [smem:$0x0];
	_ =	sdelay $0x2  }
0xb8: {  	s31 =	sshll.u32 s1, $0xD;
	s1 =	sshrl.u32 s1, $0x2  }
0xb9: {  	s3 =	sand.u32 $0x4000, s31;
	s1 =	sadd.s32 s1, s30  }
0xba: {  	s0 =	sor.u32 s3, s0;
	s1 =	sshll.u32 s1, $0x11  }
0xbb: {  	s0 =	sor.u32 s1, s0  }
0xbc: {  	s0 =	sadd.s32 $0x8F2B, s0  }
0xbd: {  	[sflag:s0] =	ssyncadd.remote.s32 $0x1  }
0xbe: {  	_ =	sfence.sel $0xFFFF  }
0xbf: {  	[dreg:$0x0] =	wrdreg $0xFFFFFFFF;
	(pc) =	sbr.abs _section_cstart, $3  }
0xc0: {  	[dreg:$0x1] =	wrdreg $0xFFFFFFFF  }
0xc1: {  	_ =	task.clear_ibuf [dreg:s6], $0x2FFFF;
	_ =	strace $0x9FFFFFFF  }
0xc2: {  	(tm) =	ssettm $0x7FFFFFFF  }
0xc3: {  	_ =	shalt  }
tec
execute0_lowered:
.L_overlay_start_1:
0x0: {  	(tag) =	ssettag $0x1  }
0x1: {  	s4 =	rddreg [dreg:$0x0]  }
0x2: {  	s2 =	rddreg [dreg:$0x1]  }
0x3: {  	s0 =	rddreg [dreg:$0x2];
	s1 =	stileid.u32  }
0x4: {  	s5 =	srdreg.scid;
	s3 =	simm.s32 $0x0;
	s13 =	simm.s32 $0x80  }
0x5: {  	s14 =	simm.s32 $0x9E00;
	s15 =	simm.s32 $0xBE00;
	s16 =	simm.s32 $0x1  }
0x6: {  	s17 =	simm.s32 $0x2;
	s18 =	simm.s32 $0x4E80;
	s19 =	simm.s32 $0x9D00  }
0x7: {  	s20 =	simm.s32 $0x9D80;
	s6 =	smul.u32 $0x9E0, s1;
	s5 =	sand.u32 $0x1, s5  }
0x8: {  	[smem:$0x7FF] =	sst s3;
	s8 =	smul.u32 $0xA000, s1;
	s11 =	sshll.u32 s1, $0x6  }
0x9: {  	s7 =	smul.u32 $0x14000, s5;
	_ =	strace $0x8000004A;
	s5 =	ssub.s32 $0x2, s5  }
0xa: {  	s11 =	sor.u32 $0x1C03, s11;
	s6 =	sadd.s32 s6, s4;
	s31 =	sshrl.u32 s5, $0x1  }
0xb: {  	s12 =	sadd.s32 s8, s2;
	s21 =	sshrl.u32 s8, $0x3;
	s8 =	simm.s32 $0x3  }
0xc: {  	s7 =	sadd.s32 s7, s4;
	s9 =	ssub.s32 s5, s31;
	s4 =	sadd.s32 $0x15200, s6  }
0xd: {  	s5 =	sadd.s32 $0x1400, s6;
	s12 =	sshrl.u32 s12, $0x3;
	s6 =	sadd.s32 $0x1F000, s7  }
0xe: {  	s22 =	sadd.s32 $0x47000, s7;
	s7 =	smax.u32 s9, $0x1;
	s9 =	simm.s32 $0x4F00  }
0xf: {  	s10 =	sadd.s32 s21, s6;
	s21 =	sadd.s32 s21, s22;
	s22 =	simm.s32 $0x0  }
.LBB2_1:
0x10: {  	[tilespmem:s3], [sflag:$0x3] =	stream.linear.gather [hbm4b:s4+s3], $0x4F00, $0x38;
	[tilespmem:$0x17E00] =	vst v63  }
0x11: {  	_ =	swait.ge [sflag:s8], $0x4F00  }
0x12: {  	[sflag:s8] =	ssyncset.done $0x0  }
0x13: {  	[sflag:s8] =	ssyncadd.s32 $0xFFFFB100  }
0x14: {  	[tilespmem:s9], [sflag:$0x3] =	stream.linear.gather [hbm4b:s5+s3], $0x4F00, $0x38;
	[tilespmem:$0x17E00] =	vst v63  }
0x15: {  	_ =	swait.ge [sflag:s8], $0x4F00  }
0x16: {  	[sflag:s8] =	ssyncset.done $0x0  }
0x17: {  	[sflag:s8] =	ssyncadd.s32 $0xFFFFB100  }
0x18: {  	[spmem:s12], [sflag:s11] =	dma.local [hbm:s10], $0x1400  }
0x19: {  	_ =	swait.ge [sflag:s8], $0x1400  }
0x1a: {  	[sflag:s8] =	ssyncset.done $0x0  }
0x1b: {  	[sflag:s8] =	ssyncadd.s32 $0xFFFFEC00  }
0x1c: {  	[bflag:$0x0] =	sbarrier.arrive $0xFFFF  }
0x1d: {  	[tilespmem:s14], [sflag:$0x1] =	stream.indirect.gather [hbm4b:s6+s13], $0x40, s3, s13, $0xb8;
	[tilespmem:$0x17E00] =	vst v63  }
0x1e: {  	s23 =	simm.s32 $0x80  }
0x1f: {  	[tilespmem:s15], [sflag:$0x2] =	stream.indirect.gather [hbm4b:s6+s13], $0x40, s23, s13, $0xb8;
	[tilespmem:$0x17E00] =	vst v63  }
0x20: {  	_ =	swait.ge [sflag:s16], $0x2000  }
0x21: {  	[sflag:s16] =	ssyncset.done $0x0  }
0x22: {  	s29 =	simm.s32 $0x4F00;
	[sflag:s16] =	ssyncadd.s32 $0xFFFFE000  }
0x23: {  	[spmem:s2] =	stream.indirect.scatter.add.f32 [tilespmem:s14], [sflag:$0x3], $0x40, s29, s13, $0xb8;
	[tilespmem:$0x17E00] =	vst v63  }
0x24: {  	_ =	swait.ge [sflag:s8], $0x2000  }
0x25: {  	[sflag:s8] =	ssyncset.done $0x0  }
0x26: {  	s30 =	simm.s32 $0x100;
	[sflag:s8] =	ssyncadd.s32 $0xFFFFE000  }
0x27: {  	[tilespmem:s14], [sflag:$0x1] =	stream.indirect.gather [hbm4b:s6+s13], $0x40, s30, s13, $0xb8;
	[tilespmem:$0x17E00] =	vst v63  }
0x28: {  	_ =	swait.ge [sflag:s17], $0x2000  }
0x29: {  	[sflag:s17] =	ssyncset.done $0x0  }
0x2a: {  	s31 =	simm.s32 $0x4F80;
	[sflag:s17] =	ssyncadd.s32 $0xFFFFE000  }
0x2b: {  	[spmem:s2] =	stream.indirect.scatter.add.f32 [tilespmem:s15], [sflag:$0x3], $0x40, s31, s13, $0xb8;
	[tilespmem:$0x17E00] =	vst v63  }
0x2c: {  	_ =	swait.ge [sflag:s8], $0x2000  }
0x2d: {  	s24 =	simm.s32 $0x800;
	s23 =	simm.s32 $0x100;
	[sflag:s8] =	ssyncset.done $0x0  }
.LBB2_2:
0x2e: {  	s25 =	sadd.s32 $0x80, s23  }
0x2f: {  	[sflag:s8] =	ssyncadd.s32 $0xFFFFE000;
	s26 =	smov.u32 s24;
	s28 =	sadd.s32 $0x400, s24  }
0x30: {  	[tilespmem:s15], [sflag:$0x2] =	stream.indirect.gather [hbm4b:s6+s13], $0x40, s25, s13, $0xb8;
	[tilespmem:$0x17E00] =	vst v63  }
0x31: {  	p0 =	sne.s32 s24, $0x13400;
	_ =	swait.ge [sflag:s16], $0x2000  }
0x32: {  	[sflag:s16] =	ssyncset.done $0x0  }
0x33: {  	s24 =	sadd.s32 $0x4F00, s23;
	[sflag:s16] =	ssyncadd.s32 $0xFFFFE000  }
0x34: {  	[spmem:s2] =	stream.indirect.scatter.add.f32 [tilespmem:s14], [sflag:$0x3], $0x40, s24, s13, $0xb8;
	[tilespmem:$0x17E00] =	vst v63  }
0x35: {  	_ =	swait.ge [sflag:s8], $0x2000  }
0x36: {  	[sflag:s8] =	ssyncset.done $0x0  }
0x37: {  	s24 =	sadd.s32 $0x100, s23;
	[sflag:s8] =	ssyncadd.s32 $0xFFFFE000  }
0x38: {  	[tilespmem:s14], [sflag:$0x1] =	stream.indirect.gather [hbm4b:s6+s13], $0x40, s24, s13, $0xb8;
	[tilespmem:$0x17E00] =	vst v63  }
0x39: {  	_ =	swait.ge [sflag:s17], $0x2000  }
.Ltmp0:
0x3a: {  	[sflag:s17] =	ssyncset.done $0x0;
	(pc) =	sbr.rel @p0 .LBB2_2-.Ltmp0, $4  }
0x3b: {  	s23 =	sadd.s32 $0x4F80, s23;
	[sflag:s17] =	ssyncadd.s32 $0xFFFFE000  }
0x3c: {  	[spmem:s2] =	stream.indirect.scatter.add.f32 [tilespmem:s15], [sflag:$0x3], $0x40, s23, s13, $0xb8;
	[tilespmem:$0x17E00] =	vst v63  }
0x3d: {  	_ =	swait.ge [sflag:s8], $0x2000  }
0x3e: {  	s24 =	smov.u32 s28;
	s23 =	sshra.s32 s26, $0x2;
	[sflag:s8] =	ssyncset.done $0x0  }
0x3f: {  	s24 =	sadd.s32 $0x80, s23;
	[sflag:s8] =	ssyncadd.s32 $0xFFFFE000  }
0x40: {  	[tilespmem:s15], [sflag:$0x2] =	stream.indirect.gather [hbm4b:s6+s13], $0x40, s24, s13, $0xb8;
	[tilespmem:$0x17E00] =	vst v63  }
0x41: {  	_ =	swait.ge [sflag:s16], $0x2000  }
0x42: {  	[sflag:s16] =	ssyncset.done $0x0  }
0x43: {  	s29 =	sadd.s32 $0x4F00, s23;
	[sflag:s16] =	ssyncadd.s32 $0xFFFFE000  }
0x44: {  	[spmem:s2] =	stream.indirect.scatter.add.f32 [tilespmem:s14], [sflag:$0x3], $0x40, s29, s13, $0xb8;
	[tilespmem:$0x17E00] =	vst v63  }
0x45: {  	_ =	swait.ge [sflag:s8], $0x2000  }
0x46: {  	[sflag:s8] =	ssyncset.done $0x0  }
0x47: {  	s30 =	sadd.s32 $0x100, s23;
	[sflag:s8] =	ssyncadd.s32 $0xFFFFE000  }
0x48: {  	[tilespmem:s14], [sflag:$0x1] =	stream.indirect.gather [hbm4b:s6+s13], $0x40, s30, s13, $0xb8;
	[tilespmem:$0x17E00] =	vst v63  }
0x49: {  	_ =	swait.ge [sflag:s17], $0x2000  }
0x4a: {  	[sflag:s17] =	ssyncset.done $0x0  }
0x4b: {  	s31 =	sadd.s32 $0x4F80, s23;
	[sflag:s17] =	ssyncadd.s32 $0xFFFFE000  }
0x4c: {  	[spmem:s2] =	stream.indirect.scatter.add.f32 [tilespmem:s15], [sflag:$0x3], $0x40, s31, s13, $0xb8;
	[tilespmem:$0x17E00] =	vst v63  }
0x4d: {  	_ =	swait.ge [sflag:s8], $0x2000  }
0x4e: {  	[sflag:s8] =	ssyncset.done $0x0  }
0x4f: {  	[sflag:s8] =	ssyncadd.s32 $0xFFFFE000  }
0x50: {  	[tilespmem:s15], [sflag:$0x2] =	stream.indirect.gather [hbm4b:s6+s13], $0x40, s18, s13, $0xb8;
	[tilespmem:$0x17E00] =	vst v63  }
0x51: {  	_ =	swait.ge [sflag:s16], $0x2000  }
0x52: {  	[sflag:s16] =	ssyncset.done $0x0  }
0x53: {  	[sflag:s16] =	ssyncadd.s32 $0xFFFFE000  }
0x54: {  	[spmem:s2] =	stream.indirect.scatter.add.f32 [tilespmem:s14], [sflag:$0x3], $0x40, s19, s13, $0xb8;
	[tilespmem:$0x17E00] =	vst v63  }
0x55: {  	_ =	swait.ge [sflag:s8], $0x2000  }
0x56: {  	[sflag:s8] =	ssyncset.done $0x0  }
0x57: {  	[sflag:s8] =	ssyncadd.s32 $0xFFFFE000  }
0x58: {  	_ =	swait.ge [sflag:s17], $0x2000  }
0x59: {  	[sflag:s17] =	ssyncset.done $0x0  }
0x5a: {  	[sflag:s17] =	ssyncadd.s32 $0xFFFFE000  }
0x5b: {  	[spmem:s2] =	stream.indirect.scatter.add.f32 [tilespmem:s15], [sflag:$0x3], $0x40, s20, s13, $0xb8;
	[tilespmem:$0x17E00] =	vst v63  }
0x5c: {  	_ =	swait.ge [sflag:s8], $0x2000  }
0x5d: {  	s22 =	sadd.s32 $0x1, s22;
	[sflag:s8] =	ssyncset.done $0x0  }
0x5e: {  	p0 =	sne.s32 s22, s7;
	[sflag:s8] =	ssyncadd.s32 $0xFFFFE000  }
.Ltmp1:
0x5f: {  	[bflag:$0x0] =	sbarrier.arrive $0xFFFF;
	(pc) =	sbr.rel @p0 .LBB2_1-.Ltmp1, $4  }
0x60: {  	[hbm:s21], [sflag:s11] =	dma.local [spmem:s12], $0x1400  }
0x61: {  	_ =	swait.ge [sflag:s8], $0x1400  }
0x62: {  	[sflag:s8] =	ssyncset.done $0x0  }
0x63: {  	[sflag:s8] =	ssyncadd.s32 $0xFFFFEC00  }
0x64: {  	_ =	sfence.sel $0x180000  }
0x65: {  	[bflag:$0x0] =	sbarrier.arrive $0xFFFF  }
0x66: {  	p0 =	sne.s32 s1, $0x0;
	_ =	strace $0x9000004A  }
0x67: {  	s0 =	sadd.s32 @!p0 $0x100000, s0;
	[bflag:$0x2] =	sbarrier.arrive $0xFFFF  }
0x68: {  	[sflag:s0] =	ssyncadd.tile.s32 @!p0 $0x1;
	_ =	shalt  }
.Lfunc_end2:
_tile_overlayer_lowered:
.L_overlay_start_2:
0x69: {  	(tag) =	ssettag $0x2  }
0x6a: {  	s0 =	rddreg [dreg:$0x0];
	s2 =	stileid.u32  }
0x6b: {  	s1 =	rddreg [dreg:$0x1];
	p0 =	sne.s32 s2, $0x0  }
0x6c: {  	s3 =	rddreg [dreg:$0x2];
	[bflag:$0x3] =	sbarrier.arrive $0xFFFF;
	s2 =	simm.s32 @!p0 $0x1C03  }
0x6d: {  	[timem:s3], [sflag:s2] =	dma.local @!p0 [hbm:s0], s1  }
0x6e: {  	s0 =	simm.s32 @!p0 $0x3  }
0x6f: {  	_ =	swait.ge @!p0 [sflag:s0], s1  }
0x70: {  	s1 =	ssub.s32 @!p0 $0x0, s1;
	[sflag:s0] =	ssyncset.done @!p0 $0x0  }
0x71: {  	[sflag:s0] =	ssyncadd.s32 @!p0 s1  }
0x72: {  	[bflag:$0x3] =	sbarrier.arrive $0xFFFF  }
0x73: {  	_ =	shalt  }

// kernel: kernel.15.cloned.1.call-start
scs
__scs_entry_jumppad:
0x0: {  	(pc) =	sbr.rel $0x88, $3  }
0x1: {  	(tag) =	ssettag $0x0;
	lr =	simm.s32 $0x1  }
0x2: {  	[smem:$0x3F9B] =	sst lr;
	_ =	strace $0xD0000000  }
0x3: {  	_ = 	snop  }
0x4: {  	_ = 	snop  }
0x5: {  	_ = 	snop  }
0x6: {  	_ = 	snop  }
0x7: {  	_ = 	snop  }
__scs_overlays_trampoline_lowered:
0x8: {  	[smem:$0x3FAA] =	sst s0  }
0x9: {  	[smem:$0x3FAB] =	sst s1  }
0xa: {  	[smem:$0x3FAC] =	sst s2  }
0xb: {  	[smem:$0x3FAD] =	sst s3  }
0xc: {  	[smem:$0x3FAE] =	sst s4  }
0xd: {  	[smem:$0x3FAF] =	sst s5  }
0xe: {  	[smem:$0x3FB0] =	sst s6  }
0xf: {  	[smem:$0x3FB1] =	sst s7  }
0x10: {  	[smem:$0x3FB2] =	sst s8  }
0x11: {  	[smem:$0x3FB3] =	sst s9;
	s0 =	simm.s32 @!p0 $0x0  }
0x12: {  	s1 =	sld [smem:$0x3F99];
	s0 =	simm.s32 @p0 $0x1  }
0x13: {  	[smem:$0x3FB4] =	sst s0;
	s0 =	simm.s32 @!p1 $0x0  }
0x14: {  	s2 =	sld [smem:$0x3F98];
	s0 =	simm.s32 @p1 $0x1  }
0x15: {  	[smem:$0x3FB5] =	sst s0;
	s0 =	simm.s32 @!p2 $0x0  }
0x16: {  	s3 =	sld [smem:$0x3FDB];
	s0 =	simm.s32 @p2 $0x1  }
0x17: {  	s4 =	simm.s32 $0x1BF5;
	[smem:$0x3FB7] =	sst s0  }
0x18: {  	s0 =	sld [smem:$0x3F9A];
	_ =	swait.ge [sflag:s4], $0x0  }
0x19: {  	s7 =	sld [smem:$0x3F9B]  }
0x1a: {  	s8 =	sadd.s32 $0xFFFFE003, lr  }
0x1b: {  	s9 =	sadd.s32 $0xFFFFFEF7, lr;
	s5 =	simm.s32 $0xFFFFFFFF;
	p2 =	slt.u32 s8, $0xFFFFF086  }
0x1c: {  	p1 =	slt.u32 s9, $0xF7A;
	s5 =	simm.s32 @!p2 $0x0  }
0x1d: {  	s5 =	simm.s32 @p1 $0x1;
	p0 =	seq.s32 s7, s2  }
0x1e: {  	s7 =	smul.u32 @!p0 $0xF7A, s2;
	p2 =	seq.s32 @!p0 s5, $0x0  }
0x1f: {  	s9 =	smul.u32 $0xF7A, s1;
	s8 =	simm.s32 @!p0 $0x1BF5;
	p2 =	por !p2, p0  }
0x20: {  	[sflag:s8] =	ssyncset.s32 @!p0 $0xFFFFF086;
	s6 =	sadd.s32 @!p0 s3, s7;
	s7 =	simm.s32 @!p0 $0x108  }
0x21: {  	s3 =	sadd.s32 s3, s9;
	s6 =	sadd.s32 @!p0 $0x88, s6;
	s7 =	simm.s32 @p2 $0x1082  }
0x22: {  	[simem:s7], [sflag:s8] =	dma.local @!p0 [hbm:s6], $0xF7A  }
0x23: {  	s9 =	sor.u32 $0xD0000000, s2;
	s6 =	simm.s32 $0x108;
	_ =	swait.ge @!p0 [sflag:s8], $0x0  }
0x24: {  	s3 =	sadd.s32 $0x88, s3;
	s6 =	simm.s32 @!p1 $0x1082;
	[sflag:s4] =	ssyncset.s32 $0xFFFFF086  }
0x25: {  	[simem:s6], [sflag:s4] =	dma.local [hbm:s3], $0xF7A  }
0x26: {  	[smem:$0x3F9B] =	sst s1;
	(tag) =	ssettag s2;
	_ =	strace s9  }
0x27: {  	s1 =	sld [smem:$0x3FAB]  }
0x28: {  	s2 =	sld [smem:$0x3FAC]  }
0x29: {  	s4 =	sld [smem:$0x3FAE]  }
0x2a: {  	p0 =	seq.s32 s5, $0x0;
	s5 =	sld [smem:$0x3FAF]  }
0x2b: {  	s6 =	sld [smem:$0x3FB0]  }
0x2c: {  	s7 =	sld [smem:$0x3FB1]  }
0x2d: {  	s3 =	simm.s32 $0x108;
	s8 =	sld [smem:$0x3FB2]  }
0x2e: {  	s3 =	simm.s32 @!p0 $0x1082;
	s9 =	sld [smem:$0x3FB3]  }
0x2f: {  	lr =	sadd.s32 s0, s3;
	s0 =	sld [smem:$0x3FAA]  }
0x30: {  	s3 =	sld [smem:$0x3FAD]  }
0x31: {  	[smem:$0x3FB6] =	sst s10  }
0x32: {  	s10 =	sld [smem:$0x3FB4];
	_ =	sdelay $0x3  }
0x33: {  	p0 =	seq.s32 s10, $0x1;
	s10 =	sld [smem:$0x3FB6];
	_ =	sdelay $0x3  }
0x34: {  	[smem:$0x3FB6] =	sst s10  }
0x35: {  	s10 =	sld [smem:$0x3FB5];
	_ =	sdelay $0x3  }
0x36: {  	p1 =	seq.s32 s10, $0x1;
	s10 =	sld [smem:$0x3FB6];
	_ =	sdelay $0x3  }
0x37: {  	[smem:$0x3FB6] =	sst s10  }
0x38: {  	s10 =	sld [smem:$0x3FB7]  }
0x39: {  	_ = 	snop;
	(pc) =	sbr.ind lr, $3  }
0x3a: {  	_ = 	snop  }
0x3b: {  	_ = 	snop  }
0x3c: {  	p2 =	seq.s32 s10, $0x1;
	s10 =	sld [smem:$0x3FB6]  }
0x3d: {  	_ =	shalt  }
0x3e: {  	_ =	shalt  }
0x3f: {  	_ =	shalt  }
0x40: {  	_ =	shalt  }
0x41: {  	_ =	shalt  }
0x42: {  	_ =	shalt  }
0x43: {  	_ =	shalt  }
0x44: {  	_ =	shalt  }
0x45: {  	_ =	shalt  }
0x46: {  	_ =	shalt  }
0x47: {  	_ =	shalt  }
0x48: {  	_ =	shalt  }
0x49: {  	_ =	shalt  }
0x4a: {  	_ =	shalt  }
0x4b: {  	_ =	shalt  }
0x4c: {  	_ =	shalt  }
0x4d: {  	_ =	shalt  }
0x4e: {  	_ =	shalt  }
0x4f: {  	_ =	shalt  }
0x50: {  	_ =	shalt  }
0x51: {  	_ =	shalt  }
0x52: {  	_ =	shalt  }
0x53: {  	_ =	shalt  }
0x54: {  	_ =	shalt  }
0x55: {  	_ =	shalt  }
0x56: {  	_ =	shalt  }
0x57: {  	_ =	shalt  }
0x58: {  	_ =	shalt  }
0x59: {  	_ =	shalt  }
0x5a: {  	_ =	shalt  }
0x5b: {  	_ =	shalt  }
0x5c: {  	_ =	shalt  }
0x5d: {  	_ =	shalt  }
0x5e: {  	_ =	shalt  }
0x5f: {  	_ =	shalt  }
0x60: {  	_ =	shalt  }
0x61: {  	_ =	shalt  }
0x62: {  	_ =	shalt  }
0x63: {  	_ =	shalt  }
0x64: {  	_ =	shalt  }
0x65: {  	_ =	shalt  }
0x66: {  	_ =	shalt  }
0x67: {  	_ =	shalt  }
0x68: {  	_ =	shalt  }
0x69: {  	_ =	shalt  }
0x6a: {  	_ =	shalt  }
0x6b: {  	_ =	shalt  }
0x6c: {  	_ =	shalt  }
0x6d: {  	_ =	shalt  }
0x6e: {  	_ =	shalt  }
0x6f: {  	_ =	shalt  }
0x70: {  	_ =	shalt  }
0x71: {  	_ =	shalt  }
0x72: {  	_ =	shalt  }
0x73: {  	_ =	shalt  }
0x74: {  	_ =	shalt  }
0x75: {  	_ =	shalt  }
0x76: {  	_ =	shalt  }
0x77: {  	_ =	shalt  }
0x78: {  	_ =	shalt  }
0x79: {  	_ =	shalt  }
0x7a: {  	_ =	shalt  }
0x7b: {  	_ =	shalt  }
0x7c: {  	_ =	shalt  }
0x7d: {  	_ =	shalt  }
0x7e: {  	_ =	shalt  }
0x7f: {  	_ =	shalt  }
0x80: {  	_ =	shalt  }
0x81: {  	_ =	shalt  }
0x82: {  	_ =	shalt  }
0x83: {  	_ =	shalt  }
0x84: {  	_ =	shalt  }
0x85: {  	_ =	shalt  }
0x86: {  	_ =	shalt  }
0x87: {  	_ =	shalt  }
.Lfunc_end0:
.L_simem_size_0:
called_computation.2_lowered:
.L_overlay_start_0:
0x88: {  	s2 =	sld [smem:$0x3FD9]  }
0x89: {  	s3 =	sld [smem:$0x3FFE];
	_ =	sdelay $0x1  }
0x8a: {  	s1 =	srdreg.scid  }
0x8b: {  	s0 =	sand.u32 $0x1, s1  }
0x8c: {  	s16 =	sshll.u32 s0, $0xA;
	s2 =	sadd.s32 s3, s2  }
0x8d: {  	s2 =	sadd.s32 s2, s16  }
0x8e: {  	[smem:$0x3FC2] =	sst s2  }
0x8f: {  	_ = 	snop  }
0x90: {  	(tm) =	ssettm $0x1  }
0x91: {  	s17 =	sld [smem:$0x3FFB];
	_ =	sdelay $0x3  }
0x92: {  	_ =	strace s17  }
0x93: {  	s2 =	sld [smem:$0x3FFC];
	_ =	sdelay $0x3  }
0x94: {  	_ =	strace s2  }
0x95: {  	s2 =	sld [smem:$0x3FFD];
	_ =	sdelay $0x3  }
0x96: {  	_ =	strace s2  }
0x97: {  	_ =	strace $0x8FFFFFFF  }
0x98: {  	s18 =	sld [smem:$0x3FDB];
	_ =	sdelay $0x1  }
0x99: {  	s19 =	simm.s32 $_scs_section_size  }
0x9a: {  	s4 =	simm.s32 $_size__tile_overlayer_lowered;
	s5 =	simm.s32 $_tile_overlayer_lowered  }
0x9b: {  	s22 =	simm.s32 $0x1BFF;
	s21 =	sshll.u32 s5, $0x1;
	s2 =	sadd.s32 s19, s18  }
0x9c: {  	s6 =	simm.s32 $0x0;
	s20 =	sshll.u32 s4, $0x1;
	s4 =	sadd.s32 s21, s2  }
0x9d: {  	[timem:s6], [sflag:s22] =	dma.local [hbm:s4], s20  }
0x9e: {  	_ =	swait.ge [sflag:s22], s20  }
0x9f: {  	s3 =	ssub.s32 $0x0, s20;
	[sflag:s22] =	ssyncset.done $0x0  }
0xa0: {  	[sflag:s22] =	ssyncadd.s32 s3;
	_ =	sdelay $0x1  }
0xa1: {  	s23 =	simm.s32 $0x1B8B  }
0xa2: {  	_ =	swait.ge [sflag:s23], $0x1  }
0xa3: {  	[sflag:s23] =	ssyncset.done $0x0  }
0xa4: {  	s25 =	simm.s32 $0x1B8E;
	s24 =	sld [smem:$0x3FFE];
	[sflag:s23] =	ssyncadd.s32 $0xFFFFFFFF  }
0xa5: {  	s26 =	simm.s32 $execute0_lowered;
	[smem:$0x3FD2] =	sst s25  }
0xa6: {  	s4 =	sshll.u32 s26, $0x1;
	_ =	strace $0x8000004C;
	[dreg:$0x1] =	wrdreg $0xFFFFFFFF  }
0xa7: {  	s28 =	simm.s32 $_size_execute0_lowered;
	s2 =	sadd.s32 s2, s4;
	[dreg:$0x0] =	wrdreg $0x0  }
0xa8: {  	s4 =	sshll.u32 s28, $0x1;
	[dreg:$0x2] =	wrdreg s2  }
0xa9: {  	[dreg:$0x3] =	wrdreg s4  }
0xaa: {  	[dreg:$0x4] =	wrdreg $0xC0  }
0xab: {  	_ =	task [dreg:s6], $0x5FFFF  }
0xac: {  	[dreg:$0x1] =	wrdreg $0xFFFFFFFF  }
0xad: {  	[dreg:$0x0] =	wrdreg $0x60  }
0xae: {  	[dreg:$0x2] =	wrdreg s24  }
0xaf: {  	[dreg:$0x3] =	wrdreg $0xBE000  }
0xb0: {  	[dreg:$0x4] =	wrdreg $0x9  }
0xb1: {  	_ =	task.clear_ibuf [dreg:s6], $0x5FFFF;
	_ =	strace $0x9000004C  }
0xb2: {  	s29 =	simm.s32 $0x9;
	_ =	strace $0x8000004E  }
0xb3: {  	_ =	swait.ge [sflag:s29], $0x1  }
0xb4: {  	[sflag:s29] =	ssyncadd.s32 $0xFFFFFFFF  }
0xb5: {  	_ =	strace $0x9000004E  }
0xb6: {  	_ =	sfence  }
0xb7: {  	s30 =	sld [smem:$0x0];
	_ =	sdelay $0x2  }
0xb8: {  	s31 =	sshll.u32 s1, $0xD;
	s1 =	sshrl.u32 s1, $0x2  }
0xb9: {  	s3 =	sand.u32 $0x4000, s31;
	s1 =	sadd.s32 s1, s30  }
0xba: {  	s0 =	sor.u32 s3, s0;
	s1 =	sshll.u32 s1, $0x11  }
0xbb: {  	s0 =	sor.u32 s1, s0  }
0xbc: {  	s0 =	sadd.s32 $0x8F2B, s0  }
0xbd: {  	[sflag:s0] =	ssyncadd.remote.s32 $0x1  }
0xbe: {  	_ =	sfence.sel $0xFFFF  }
0xbf: {  	[dreg:$0x0] =	wrdreg $0xFFFFFFFF;
	(pc) =	sbr.abs _section_cstart, $3  }
0xc0: {  	[dreg:$0x1] =	wrdreg $0xFFFFFFFF  }
0xc1: {  	_ =	task.clear_ibuf [dreg:s6], $0x2FFFF;
	_ =	strace $0x9FFFFFFF  }
0xc2: {  	(tm) =	ssettm $0x7FFFFFFF  }
0xc3: {  	_ =	shalt  }
tec
execute0_lowered:
.L_overlay_start_1:
0x0: {  	(tag) =	ssettag $0x1  }
0x1: {  	s4 =	rddreg [dreg:$0x0]  }
0x2: {  	s2 =	rddreg [dreg:$0x1]  }
0x3: {  	s0 =	rddreg [dreg:$0x2];
	s1 =	stileid.u32  }
0x4: {  	s5 =	srdreg.scid;
	s3 =	simm.s32 $0x0;
	s13 =	simm.s32 $0x80  }
0x5: {  	s14 =	simm.s32 $0x9E00;
	s15 =	simm.s32 $0xAE00;
	s16 =	simm.s32 $0x1  }
0x6: {  	s17 =	simm.s32 $0x2;
	s18 =	simm.s32 $0x4E80;
	s19 =	simm.s32 $0x9D00  }
0x7: {  	s20 =	simm.s32 $0x9D80;
	s6 =	smul.u32 $0x9E0, s1;
	s5 =	sand.u32 $0x1, s5  }
0x8: {  	[smem:$0x7FF] =	sst s3;
	s8 =	smul.u32 $0x5000, s1;
	s11 =	sshll.u32 s1, $0x6  }
0x9: {  	s7 =	smul.u32 $0xA000, s5;
	_ =	strace $0x8000004D;
	s5 =	ssub.s32 $0x2, s5  }
0xa: {  	s11 =	sor.u32 $0x1C03, s11;
	s6 =	sadd.s32 s6, s4;
	s31 =	sshrl.u32 s5, $0x1  }
0xb: {  	s12 =	sadd.s32 s8, s2;
	s21 =	sshrl.u32 s8, $0x3;
	s8 =	simm.s32 $0x3  }
0xc: {  	s7 =	sadd.s32 s7, s4;
	s9 =	ssub.s32 s5, s31;
	s4 =	sadd.s32 $0x15200, s6  }
0xd: {  	s5 =	sadd.s32 $0x1400, s6;
	s12 =	sshrl.u32 s12, $0x3;
	s6 =	sadd.s32 $0x1F000, s7  }
0xe: {  	s22 =	sadd.s32 $0x33000, s7;
	s7 =	smax.u32 s9, $0x1;
	s9 =	simm.s32 $0x4F00  }
0xf: {  	s10 =	sadd.s32 s21, s6;
	s21 =	sadd.s32 s21, s22;
	s22 =	simm.s32 $0x0  }
.LBB2_1:
0x10: {  	[tilespmem:s3], [sflag:$0x3] =	stream.linear.gather [hbm4b:s4+s3], $0x4F00, $0x38;
	[tilespmem:$0x10E00] =	vst v63  }
0x11: {  	_ =	swait.ge [sflag:s8], $0x4F00  }
0x12: {  	[sflag:s8] =	ssyncset.done $0x0  }
0x13: {  	[sflag:s8] =	ssyncadd.s32 $0xFFFFB100  }
0x14: {  	[tilespmem:s9], [sflag:$0x3] =	stream.linear.gather [hbm4b:s5+s3], $0x4F00, $0x38;
	[tilespmem:$0x10E00] =	vst v63  }
0x15: {  	_ =	swait.ge [sflag:s8], $0x4F00  }
0x16: {  	[sflag:s8] =	ssyncset.done $0x0  }
0x17: {  	[sflag:s8] =	ssyncadd.s32 $0xFFFFB100  }
0x18: {  	[spmem:s12], [sflag:s11] =	dma.local [hbm:s10], $0xA00  }
0x19: {  	_ =	swait.ge [sflag:s8], $0xA00  }
0x1a: {  	[sflag:s8] =	ssyncset.done $0x0  }
0x1b: {  	[sflag:s8] =	ssyncadd.s32 $0xFFFFF600  }
0x1c: {  	[bflag:$0x0] =	sbarrier.arrive $0xFFFF  }
0x1d: {  	[tilespmem:s14], [sflag:$0x1] =	stream.indirect.gather [hbm4b:s6+s13], $0x20, s3, s13, $0xb8;
	[tilespmem:$0x10E00] =	vst v63  }
0x1e: {  	s23 =	simm.s32 $0x80  }
0x1f: {  	[tilespmem:s15], [sflag:$0x2] =	stream.indirect.gather [hbm4b:s6+s13], $0x20, s23, s13, $0xb8;
	[tilespmem:$0x10E00] =	vst v63  }
0x20: {  	_ =	swait.ge [sflag:s16], $0x1000  }
0x21: {  	[sflag:s16] =	ssyncset.done $0x0  }
0x22: {  	s29 =	simm.s32 $0x4F00;
	[sflag:s16] =	ssyncadd.s32 $0xFFFFF000  }
0x23: {  	[spmem:s2] =	stream.indirect.scatter.add.f32 [tilespmem:s14], [sflag:$0x3], $0x20, s29, s13, $0xb8;
	[tilespmem:$0x10E00] =	vst v63  }
0x24: {  	_ =	swait.ge [sflag:s8], $0x1000  }
0x25: {  	[sflag:s8] =	ssyncset.done $0x0  }
0x26: {  	s30 =	simm.s32 $0x100;
	[sflag:s8] =	ssyncadd.s32 $0xFFFFF000  }
0x27: {  	[tilespmem:s14], [sflag:$0x1] =	stream.indirect.gather [hbm4b:s6+s13], $0x20, s30, s13, $0xb8;
	[tilespmem:$0x10E00] =	vst v63  }
0x28: {  	_ =	swait.ge [sflag:s17], $0x1000  }
0x29: {  	[sflag:s17] =	ssyncset.done $0x0  }
0x2a: {  	s31 =	simm.s32 $0x4F80;
	[sflag:s17] =	ssyncadd.s32 $0xFFFFF000  }
0x2b: {  	[spmem:s2] =	stream.indirect.scatter.add.f32 [tilespmem:s15], [sflag:$0x3], $0x20, s31, s13, $0xb8;
	[tilespmem:$0x10E00] =	vst v63  }
0x2c: {  	_ =	swait.ge [sflag:s8], $0x1000  }
0x2d: {  	s24 =	simm.s32 $0x800;
	s23 =	simm.s32 $0x100;
	[sflag:s8] =	ssyncset.done $0x0  }
.LBB2_2:
0x2e: {  	s25 =	sadd.s32 $0x80, s23  }
0x2f: {  	[sflag:s8] =	ssyncadd.s32 $0xFFFFF000;
	s26 =	smov.u32 s24;
	s28 =	sadd.s32 $0x400, s24  }
0x30: {  	[tilespmem:s15], [sflag:$0x2] =	stream.indirect.gather [hbm4b:s6+s13], $0x20, s25, s13, $0xb8;
	[tilespmem:$0x10E00] =	vst v63  }
0x31: {  	p0 =	sne.s32 s24, $0x13400;
	_ =	swait.ge [sflag:s16], $0x1000  }
0x32: {  	[sflag:s16] =	ssyncset.done $0x0  }
0x33: {  	s24 =	sadd.s32 $0x4F00, s23;
	[sflag:s16] =	ssyncadd.s32 $0xFFFFF000  }
0x34: {  	[spmem:s2] =	stream.indirect.scatter.add.f32 [tilespmem:s14], [sflag:$0x3], $0x20, s24, s13, $0xb8;
	[tilespmem:$0x10E00] =	vst v63  }
0x35: {  	_ =	swait.ge [sflag:s8], $0x1000  }
0x36: {  	[sflag:s8] =	ssyncset.done $0x0  }
0x37: {  	s24 =	sadd.s32 $0x100, s23;
	[sflag:s8] =	ssyncadd.s32 $0xFFFFF000  }
0x38: {  	[tilespmem:s14], [sflag:$0x1] =	stream.indirect.gather [hbm4b:s6+s13], $0x20, s24, s13, $0xb8;
	[tilespmem:$0x10E00] =	vst v63  }
0x39: {  	_ =	swait.ge [sflag:s17], $0x1000  }
.Ltmp0:
0x3a: {  	[sflag:s17] =	ssyncset.done $0x0;
	(pc) =	sbr.rel @p0 .LBB2_2-.Ltmp0, $4  }
0x3b: {  	s23 =	sadd.s32 $0x4F80, s23;
	[sflag:s17] =	ssyncadd.s32 $0xFFFFF000  }
0x3c: {  	[spmem:s2] =	stream.indirect.scatter.add.f32 [tilespmem:s15], [sflag:$0x3], $0x20, s23, s13, $0xb8;
	[tilespmem:$0x10E00] =	vst v63  }
0x3d: {  	_ =	swait.ge [sflag:s8], $0x1000  }
0x3e: {  	s24 =	smov.u32 s28;
	s23 =	sshra.s32 s26, $0x2;
	[sflag:s8] =	ssyncset.done $0x0  }
0x3f: {  	s24 =	sadd.s32 $0x80, s23;
	[sflag:s8] =	ssyncadd.s32 $0xFFFFF000  }
0x40: {  	[tilespmem:s15], [sflag:$0x2] =	stream.indirect.gather [hbm4b:s6+s13], $0x20, s24, s13, $0xb8;
	[tilespmem:$0x10E00] =	vst v63  }
0x41: {  	_ =	swait.ge [sflag:s16], $0x1000  }
0x42: {  	[sflag:s16] =	ssyncset.done $0x0  }
0x43: {  	s29 =	sadd.s32 $0x4F00, s23;
	[sflag:s16] =	ssyncadd.s32 $0xFFFFF000  }
0x44: {  	[spmem:s2] =	stream.indirect.scatter.add.f32 [tilespmem:s14], [sflag:$0x3], $0x20, s29, s13, $0xb8;
	[tilespmem:$0x10E00] =	vst v63  }
0x45: {  	_ =	swait.ge [sflag:s8], $0x1000  }
0x46: {  	[sflag:s8] =	ssyncset.done $0x0  }
0x47: {  	s30 =	sadd.s32 $0x100, s23;
	[sflag:s8] =	ssyncadd.s32 $0xFFFFF000  }
0x48: {  	[tilespmem:s14], [sflag:$0x1] =	stream.indirect.gather [hbm4b:s6+s13], $0x20, s30, s13, $0xb8;
	[tilespmem:$0x10E00] =	vst v63  }
0x49: {  	_ =	swait.ge [sflag:s17], $0x1000  }
0x4a: {  	[sflag:s17] =	ssyncset.done $0x0  }
0x4b: {  	s31 =	sadd.s32 $0x4F80, s23;
	[sflag:s17] =	ssyncadd.s32 $0xFFFFF000  }
0x4c: {  	[spmem:s2] =	stream.indirect.scatter.add.f32 [tilespmem:s15], [sflag:$0x3], $0x20, s31, s13, $0xb8;
	[tilespmem:$0x10E00] =	vst v63  }
0x4d: {  	_ =	swait.ge [sflag:s8], $0x1000  }
0x4e: {  	[sflag:s8] =	ssyncset.done $0x0  }
0x4f: {  	[sflag:s8] =	ssyncadd.s32 $0xFFFFF000  }
0x50: {  	[tilespmem:s15], [sflag:$0x2] =	stream.indirect.gather [hbm4b:s6+s13], $0x20, s18, s13, $0xb8;
	[tilespmem:$0x10E00] =	vst v63  }
0x51: {  	_ =	swait.ge [sflag:s16], $0x1000  }
0x52: {  	[sflag:s16] =	ssyncset.done $0x0  }
0x53: {  	[sflag:s16] =	ssyncadd.s32 $0xFFFFF000  }
0x54: {  	[spmem:s2] =	stream.indirect.scatter.add.f32 [tilespmem:s14], [sflag:$0x3], $0x20, s19, s13, $0xb8;
	[tilespmem:$0x10E00] =	vst v63  }
0x55: {  	_ =	swait.ge [sflag:s8], $0x1000  }
0x56: {  	[sflag:s8] =	ssyncset.done $0x0  }
0x57: {  	[sflag:s8] =	ssyncadd.s32 $0xFFFFF000  }
0x58: {  	_ =	swait.ge [sflag:s17], $0x1000  }
0x59: {  	[sflag:s17] =	ssyncset.done $0x0  }
0x5a: {  	[sflag:s17] =	ssyncadd.s32 $0xFFFFF000  }
0x5b: {  	[spmem:s2] =	stream.indirect.scatter.add.f32 [tilespmem:s15], [sflag:$0x3], $0x20, s20, s13, $0xb8;
	[tilespmem:$0x10E00] =	vst v63  }
0x5c: {  	_ =	swait.ge [sflag:s8], $0x1000  }
0x5d: {  	s22 =	sadd.s32 $0x1, s22;
	[sflag:s8] =	ssyncset.done $0x0  }
0x5e: {  	p0 =	sne.s32 s22, s7;
	[sflag:s8] =	ssyncadd.s32 $0xFFFFF000  }
.Ltmp1:
0x5f: {  	[bflag:$0x0] =	sbarrier.arrive $0xFFFF;
	(pc) =	sbr.rel @p0 .LBB2_1-.Ltmp1, $4  }
0x60: {  	[hbm:s21], [sflag:s11] =	dma.local [spmem:s12], $0xA00  }
0x61: {  	_ =	swait.ge [sflag:s8], $0xA00  }
0x62: {  	[sflag:s8] =	ssyncset.done $0x0  }
0x63: {  	[sflag:s8] =	ssyncadd.s32 $0xFFFFF600  }
0x64: {  	_ =	sfence.sel $0x180000  }
0x65: {  	[bflag:$0x0] =	sbarrier.arrive $0xFFFF  }
0x66: {  	p0 =	sne.s32 s1, $0x0;
	_ =	strace $0x9000004D  }
0x67: {  	s0 =	sadd.s32 @!p0 $0x100000, s0;
	[bflag:$0x2] =	sbarrier.arrive $0xFFFF  }
0x68: {  	[sflag:s0] =	ssyncadd.tile.s32 @!p0 $0x1;
	_ =	shalt  }
.Lfunc_end2:
_tile_overlayer_lowered:
.L_overlay_start_2:
0x69: {  	(tag) =	ssettag $0x2  }
0x6a: {  	s0 =	rddreg [dreg:$0x0];
	s2 =	stileid.u32  }
0x6b: {  	s1 =	rddreg [dreg:$0x1];
	p0 =	sne.s32 s2, $0x0  }
0x6c: {  	s3 =	rddreg [dreg:$0x2];
	[bflag:$0x3] =	sbarrier.arrive $0xFFFF;
	s2 =	simm.s32 @!p0 $0x1C03  }
0x6d: {  	[timem:s3], [sflag:s2] =	dma.local @!p0 [hbm:s0], s1  }
0x6e: {  	s0 =	simm.s32 @!p0 $0x3  }
0x6f: {  	_ =	swait.ge @!p0 [sflag:s0], s1  }
0x70: {  	s1 =	ssub.s32 @!p0 $0x0, s1;
	[sflag:s0] =	ssyncset.done @!p0 $0x0  }
0x71: {  	[sflag:s0] =	ssyncadd.s32 @!p0 s1  }
0x72: {  	[bflag:$0x3] =	sbarrier.arrive $0xFFFF  }
0x73: {  	_ =	shalt  }

// kernel: kernel.9.cloned.1.call-start
scs
__scs_entry_jumppad:
0x0: {  	(pc) =	sbr.rel $0x88, $3  }
0x1: {  	(tag) =	ssettag $0x0;
	lr =	simm.s32 $0x1  }
0x2: {  	[smem:$0x3F9B] =	sst lr;
	_ =	strace $0xD0000000  }
0x3: {  	_ = 	snop  }
0x4: {  	_ = 	snop  }
0x5: {  	_ = 	snop  }
0x6: {  	_ = 	snop  }
0x7: {  	_ = 	snop  }
__scs_overlays_trampoline_lowered:
0x8: {  	[smem:$0x3FAA] =	sst s0  }
0x9: {  	[smem:$0x3FAB] =	sst s1  }
0xa: {  	[smem:$0x3FAC] =	sst s2  }
0xb: {  	[smem:$0x3FAD] =	sst s3  }
0xc: {  	[smem:$0x3FAE] =	sst s4  }
0xd: {  	[smem:$0x3FAF] =	sst s5  }
0xe: {  	[smem:$0x3FB0] =	sst s6  }
0xf: {  	[smem:$0x3FB1] =	sst s7  }
0x10: {  	[smem:$0x3FB2] =	sst s8  }
0x11: {  	[smem:$0x3FB3] =	sst s9;
	s0 =	simm.s32 @!p0 $0x0  }
0x12: {  	s1 =	sld [smem:$0x3F99];
	s0 =	simm.s32 @p0 $0x1  }
0x13: {  	[smem:$0x3FB4] =	sst s0;
	s0 =	simm.s32 @!p1 $0x0  }
0x14: {  	s2 =	sld [smem:$0x3F98];
	s0 =	simm.s32 @p1 $0x1  }
0x15: {  	[smem:$0x3FB5] =	sst s0;
	s0 =	simm.s32 @!p2 $0x0  }
0x16: {  	s3 =	sld [smem:$0x3FDB];
	s0 =	simm.s32 @p2 $0x1  }
0x17: {  	s4 =	simm.s32 $0x1BF5;
	[smem:$0x3FB7] =	sst s0  }
0x18: {  	s0 =	sld [smem:$0x3F9A];
	_ =	swait.ge [sflag:s4], $0x0  }
0x19: {  	s7 =	sld [smem:$0x3F9B]  }
0x1a: {  	s8 =	sadd.s32 $0xFFFFE003, lr  }
0x1b: {  	s9 =	sadd.s32 $0xFFFFFEF7, lr;
	s5 =	simm.s32 $0xFFFFFFFF;
	p2 =	slt.u32 s8, $0xFFFFF086  }
0x1c: {  	p1 =	slt.u32 s9, $0xF7A;
	s5 =	simm.s32 @!p2 $0x0  }
0x1d: {  	s5 =	simm.s32 @p1 $0x1;
	p0 =	seq.s32 s7, s2  }
0x1e: {  	s7 =	smul.u32 @!p0 $0xF7A, s2;
	p2 =	seq.s32 @!p0 s5, $0x0  }
0x1f: {  	s9 =	smul.u32 $0xF7A, s1;
	s8 =	simm.s32 @!p0 $0x1BF5;
	p2 =	por !p2, p0  }
0x20: {  	[sflag:s8] =	ssyncset.s32 @!p0 $0xFFFFF086;
	s6 =	sadd.s32 @!p0 s3, s7;
	s7 =	simm.s32 @!p0 $0x108  }
0x21: {  	s3 =	sadd.s32 s3, s9;
	s6 =	sadd.s32 @!p0 $0x88, s6;
	s7 =	simm.s32 @p2 $0x1082  }
0x22: {  	[simem:s7], [sflag:s8] =	dma.local @!p0 [hbm:s6], $0xF7A  }
0x23: {  	s9 =	sor.u32 $0xD0000000, s2;
	s6 =	simm.s32 $0x108;
	_ =	swait.ge @!p0 [sflag:s8], $0x0  }
0x24: {  	s3 =	sadd.s32 $0x88, s3;
	s6 =	simm.s32 @!p1 $0x1082;
	[sflag:s4] =	ssyncset.s32 $0xFFFFF086  }
0x25: {  	[simem:s6], [sflag:s4] =	dma.local [hbm:s3], $0xF7A  }
0x26: {  	[smem:$0x3F9B] =	sst s1;
	(tag) =	ssettag s2;
	_ =	strace s9  }
0x27: {  	s1 =	sld [smem:$0x3FAB]  }
0x28: {  	s2 =	sld [smem:$0x3FAC]  }
0x29: {  	s4 =	sld [smem:$0x3FAE]  }
0x2a: {  	p0 =	seq.s32 s5, $0x0;
	s5 =	sld [smem:$0x3FAF]  }
0x2b: {  	s6 =	sld [smem:$0x3FB0]  }
0x2c: {  	s7 =	sld [smem:$0x3FB1]  }
0x2d: {  	s3 =	simm.s32 $0x108;
	s8 =	sld [smem:$0x3FB2]  }
0x2e: {  	s3 =	simm.s32 @!p0 $0x1082;
	s9 =	sld [smem:$0x3FB3]  }
0x2f: {  	lr =	sadd.s32 s0, s3;
	s0 =	sld [smem:$0x3FAA]  }
0x30: {  	s3 =	sld [smem:$0x3FAD]  }
0x31: {  	[smem:$0x3FB6] =	sst s10  }
0x32: {  	s10 =	sld [smem:$0x3FB4];
	_ =	sdelay $0x3  }
0x33: {  	p0 =	seq.s32 s10, $0x1;
	s10 =	sld [smem:$0x3FB6];
	_ =	sdelay $0x3  }
0x34: {  	[smem:$0x3FB6] =	sst s10  }
0x35: {  	s10 =	sld [smem:$0x3FB5];
	_ =	sdelay $0x3  }
0x36: {  	p1 =	seq.s32 s10, $0x1;
	s10 =	sld [smem:$0x3FB6];
	_ =	sdelay $0x3  }
0x37: {  	[smem:$0x3FB6] =	sst s10  }
0x38: {  	s10 =	sld [smem:$0x3FB7]  }
0x39: {  	_ = 	snop;
	(pc) =	sbr.ind lr, $3  }
0x3a: {  	_ = 	snop  }
0x3b: {  	_ = 	snop  }
0x3c: {  	p2 =	seq.s32 s10, $0x1;
	s10 =	sld [smem:$0x3FB6]  }
0x3d: {  	_ =	shalt  }
0x3e: {  	_ =	shalt  }
0x3f: {  	_ =	shalt  }
0x40: {  	_ =	shalt  }
0x41: {  	_ =	shalt  }
0x42: {  	_ =	shalt  }
0x43: {  	_ =	shalt  }
0x44: {  	_ =	shalt  }
0x45: {  	_ =	shalt  }
0x46: {  	_ =	shalt  }
0x47: {  	_ =	shalt  }
0x48: {  	_ =	shalt  }
0x49: {  	_ =	shalt  }
0x4a: {  	_ =	shalt  }
0x4b: {  	_ =	shalt  }
0x4c: {  	_ =	shalt  }
0x4d: {  	_ =	shalt  }
0x4e: {  	_ =	shalt  }
0x4f: {  	_ =	shalt  }
0x50: {  	_ =	shalt  }
0x51: {  	_ =	shalt  }
0x52: {  	_ =	shalt  }
0x53: {  	_ =	shalt  }
0x54: {  	_ =	shalt  }
0x55: {  	_ =	shalt  }
0x56: {  	_ =	shalt  }
0x57: {  	_ =	shalt  }
0x58: {  	_ =	shalt  }
0x59: {  	_ =	shalt  }
0x5a: {  	_ =	shalt  }
0x5b: {  	_ =	shalt  }
0x5c: {  	_ =	shalt  }
0x5d: {  	_ =	shalt  }
0x5e: {  	_ =	shalt  }
0x5f: {  	_ =	shalt  }
0x60: {  	_ =	shalt  }
0x61: {  	_ =	shalt  }
0x62: {  	_ =	shalt  }
0x63: {  	_ =	shalt  }
0x64: {  	_ =	shalt  }
0x65: {  	_ =	shalt  }
0x66: {  	_ =	shalt  }
0x67: {  	_ =	shalt  }
0x68: {  	_ =	shalt  }
0x69: {  	_ =	shalt  }
0x6a: {  	_ =	shalt  }
0x6b: {  	_ =	shalt  }
0x6c: {  	_ =	shalt  }
0x6d: {  	_ =	shalt  }
0x6e: {  	_ =	shalt  }
0x6f: {  	_ =	shalt  }
0x70: {  	_ =	shalt  }
0x71: {  	_ =	shalt  }
0x72: {  	_ =	shalt  }
0x73: {  	_ =	shalt  }
0x74: {  	_ =	shalt  }
0x75: {  	_ =	shalt  }
0x76: {  	_ =	shalt  }
0x77: {  	_ =	shalt  }
0x78: {  	_ =	shalt  }
0x79: {  	_ =	shalt  }
0x7a: {  	_ =	shalt  }
0x7b: {  	_ =	shalt  }
0x7c: {  	_ =	shalt  }
0x7d: {  	_ =	shalt  }
0x7e: {  	_ =	shalt  }
0x7f: {  	_ =	shalt  }
0x80: {  	_ =	shalt  }
0x81: {  	_ =	shalt  }
0x82: {  	_ =	shalt  }
0x83: {  	_ =	shalt  }
0x84: {  	_ =	shalt  }
0x85: {  	_ =	shalt  }
0x86: {  	_ =	shalt  }
0x87: {  	_ =	shalt  }
.Lfunc_end0:
.L_simem_size_0:
called_computation_lowered:
.L_overlay_start_0:
0x88: {  	s2 =	sld [smem:$0x3FD9]  }
0x89: {  	s3 =	sld [smem:$0x3FFE];
	_ =	sdelay $0x1  }
0x8a: {  	s1 =	srdreg.scid  }
0x8b: {  	s0 =	sand.u32 $0x1, s1  }
0x8c: {  	s16 =	sshll.u32 s0, $0xA;
	s2 =	sadd.s32 s3, s2  }
0x8d: {  	s2 =	sadd.s32 s2, s16  }
0x8e: {  	[smem:$0x3FC2] =	sst s2  }
0x8f: {  	_ = 	snop  }
0x90: {  	(tm) =	ssettm $0x1  }
0x91: {  	s17 =	sld [smem:$0x3FFB];
	_ =	sdelay $0x3  }
0x92: {  	_ =	strace s17  }
0x93: {  	s2 =	sld [smem:$0x3FFC];
	_ =	sdelay $0x3  }
0x94: {  	_ =	strace s2  }
0x95: {  	s2 =	sld [smem:$0x3FFD];
	_ =	sdelay $0x3  }
0x96: {  	_ =	strace s2  }
0x97: {  	_ =	strace $0x8FFFFFFF  }
0x98: {  	s18 =	sld [smem:$0x3FDB];
	_ =	sdelay $0x1  }
0x99: {  	s19 =	simm.s32 $_scs_section_size  }
0x9a: {  	s4 =	simm.s32 $_size__tile_overlayer_lowered;
	s5 =	simm.s32 $_tile_overlayer_lowered  }
0x9b: {  	s22 =	simm.s32 $0x1BFF;
	s21 =	sshll.u32 s5, $0x1;
	s2 =	sadd.s32 s19, s18  }
0x9c: {  	s6 =	simm.s32 $0x0;
	s20 =	sshll.u32 s4, $0x1;
	s4 =	sadd.s32 s21, s2  }
0x9d: {  	[timem:s6], [sflag:s22] =	dma.local [hbm:s4], s20  }
0x9e: {  	_ =	swait.ge [sflag:s22], s20  }
0x9f: {  	s3 =	ssub.s32 $0x0, s20;
	[sflag:s22] =	ssyncset.done $0x0  }
0xa0: {  	[sflag:s22] =	ssyncadd.s32 s3;
	_ =	sdelay $0x1  }
0xa1: {  	s23 =	simm.s32 $0x1B8B  }
0xa2: {  	_ =	swait.ge [sflag:s23], $0x1  }
0xa3: {  	[sflag:s23] =	ssyncset.done $0x0  }
0xa4: {  	s25 =	simm.s32 $0x1B8E;
	s24 =	sld [smem:$0x3FFE];
	[sflag:s23] =	ssyncadd.s32 $0xFFFFFFFF  }
0xa5: {  	s26 =	simm.s32 $execute0_lowered;
	[smem:$0x3FD2] =	sst s25  }
0xa6: {  	s4 =	sshll.u32 s26, $0x1;
	_ =	strace $0x80000046;
	[dreg:$0x1] =	wrdreg $0xFFFFFFFF  }
0xa7: {  	s28 =	simm.s32 $_size_execute0_lowered;
	s2 =	sadd.s32 s2, s4;
	[dreg:$0x0] =	wrdreg $0x0  }
0xa8: {  	s4 =	sshll.u32 s28, $0x1;
	[dreg:$0x2] =	wrdreg s2  }
0xa9: {  	[dreg:$0x3] =	wrdreg s4  }
0xaa: {  	[dreg:$0x4] =	wrdreg $0xC0  }
0xab: {  	_ =	task [dreg:s6], $0x5FFFF  }
0xac: {  	[dreg:$0x1] =	wrdreg $0xFFFFFFFF  }
0xad: {  	[dreg:$0x0] =	wrdreg $0x60  }
0xae: {  	[dreg:$0x2] =	wrdreg s24  }
0xaf: {  	[dreg:$0x3] =	wrdreg $0x37800  }
0xb0: {  	[dreg:$0x4] =	wrdreg $0x9  }
0xb1: {  	_ =	task.clear_ibuf [dreg:s6], $0x5FFFF;
	_ =	strace $0x90000046  }
0xb2: {  	s29 =	simm.s32 $0x9;
	_ =	strace $0x80000048  }
0xb3: {  	_ =	swait.ge [sflag:s29], $0x1  }
0xb4: {  	[sflag:s29] =	ssyncadd.s32 $0xFFFFFFFF  }
0xb5: {  	_ =	strace $0x90000048  }
0xb6: {  	_ =	sfence  }
0xb7: {  	s30 =	sld [smem:$0x0];
	_ =	sdelay $0x2  }
0xb8: {  	s31 =	sshll.u32 s1, $0xD;
	s1 =	sshrl.u32 s1, $0x2  }
0xb9: {  	s3 =	sand.u32 $0x4000, s31;
	s1 =	sadd.s32 s1, s30  }
0xba: {  	s0 =	sor.u32 s3, s0;
	s1 =	sshll.u32 s1, $0x11  }
0xbb: {  	s0 =	sor.u32 s1, s0  }
0xbc: {  	s0 =	sadd.s32 $0x8F2B, s0  }
0xbd: {  	[sflag:s0] =	ssyncadd.remote.s32 $0x1  }
0xbe: {  	_ =	sfence.sel $0xFFFF  }
0xbf: {  	[dreg:$0x0] =	wrdreg $0xFFFFFFFF;
	(pc) =	sbr.abs _section_cstart, $3  }
0xc0: {  	[dreg:$0x1] =	wrdreg $0xFFFFFFFF  }
0xc1: {  	_ =	task.clear_ibuf [dreg:s6], $0x2FFFF;
	_ =	strace $0x9FFFFFFF  }
0xc2: {  	(tm) =	ssettm $0x7FFFFFFF  }
0xc3: {  	_ =	shalt  }
tec
execute0_lowered:
.L_overlay_start_1:
0x0: {  	(tag) =	ssettag $0x1  }
0x1: {  	s4 =	rddreg [dreg:$0x0]  }
0x2: {  	s2 =	rddreg [dreg:$0x1]  }
0x3: {  	s0 =	rddreg [dreg:$0x2];
	s1 =	stileid.u32  }
0x4: {  	s5 =	srdreg.scid;
	s3 =	simm.s32 $0x0;
	s11 =	simm.s32 $0x1  }
0x5: {  	s12 =	simm.s32 $0x2F80;
	s13 =	simm.s32 $0x80;
	s6 =	smul.u32 $0x9E0, s1  }
0x6: {  	s14 =	simm.s32 $0x2780;
	s18 =	simm.s32 $0x0;
	s29 =	smul.u32 $0xA000, s1  }
0x7: {  	s5 =	sand.u32 $0x1, s5;
	[smem:$0x7FF] =	sst s3;
	s30 =	smul.u32 $0x2800, s1  }
0x8: {  	s31 =	sshll.u32 s1, $0x6;
	s7 =	smul.u32 $0x5000, s5;
	_ =	strace $0x80000047  }
0x9: {  	s8 =	smul.u32 $0x4F0, s5;
	s28 =	ssub.s32 $0x2, s5;
	s6 =	sadd.s32 s6, s4  }
0xa: {  	s9 =	sshrl.u32 s28, $0x1;
	s5 =	sshrl.u32 s29, $0x2;
	s16 =	sshrl.u32 s30, $0x3  }
0xb: {  	s17 =	sadd.s32 s30, s2;
	s7 =	sadd.s32 s7, s4;
	s6 =	sadd.s32 s8, s6  }
0xc: {  	s9 =	ssub.s32 s28, s9;
	s5 =	sadd.s32 s5, s2;
	s17 =	sshrl.u32 s17, $0x3  }
0xd: {  	s4 =	sadd.s32 $0x1400, s6;
	s15 =	sadd.s32 $0xB200, s7;
	s6 =	smax.u32 s9, $0x1  }
0xe: {  	s7 =	sadd.s32 $0x800, s5;
	s8 =	sadd.s32 $0x1000, s5;
	s9 =	sadd.s32 $0x1800, s5  }
0xf: {  	v0 =	vimm.f32 $1.000000000e+00;
	v1 =	vimm.f32 $0.0e+00;
	s10 =	sadd.s32 $0x2000, s5;
	s15 =	sadd.s32 s16, s15;
	s16 =	sor.u32 $0x1C01, s31  }
.LBB2_1:
0x10: {  	[tilespmem:s3], [sflag:$0x1] =	stream.linear.gather [hbm4b:s4+s3], $0x2780, $0x38;
	[tilespmem:$0x5F80] =	vst v63  }
0x11: {  	_ =	swait.ge [sflag:s11], $0x2780  }
0x12: {  	[sflag:s11] =	ssyncset.done $0x0  }
0x13: {  	s19 =	simm.s32 $0x0;
	[sflag:s11] =	ssyncadd.s32 $0xFFFFD880  }
.LBB2_2:
0x14: {  	p0 =	sne.s32 s19, $0x1FC0  }
.Ltmp0:
0x15: {  	_ = 	snop;
	(pc) =	sbr.rel @p0 .LBB2_2-.Ltmp0, $3  }
0x16: {  	_ =	sdelay $0x1  }
0x17: {  	s20 =	sshra.s32 s19, $0x2  }
0x18: {  	s19 =	sadd.s32 $0x40, s19;
	[tilespmem:s20+$0x2780] =	vst v0  }
0x19: {  	s19 =	simm.s32 $0x40;
	s20 =	simm.s32 $0x0  }
.LBB2_4:
0x1a: {  	p0 =	sne.s32 s19, $0x1FC0;
	[tilespmem:s20+$0x2F80] =	vst v1;
	s20 =	smov.u32 s19;
	s19 =	sadd.s32 $0x40, s19  }
.Ltmp1:
0x1b: {  	(pc) =	sbr.rel @p0 .LBB2_4-.Ltmp1, $2  }
0x1c: {  	_ =	sdelay $0x2  }
0x1d: {  	s20 =	sshra.s32 s20, $0x2  }
0x1e: {  	[tilespmem:s20+$0x2F80] =	vst v1  }
0x1f: {  	[spmem:s5] =	stream.linear.scatter [tilespmem:s12], [sflag:$0x1], $0x800, $0x38;
	[tilespmem:$0x5F80] =	vst v63  }
0x20: {  	_ =	swait.ge [sflag:s11], $0x800  }
0x21: {  	[sflag:s11] =	ssyncset.done $0x0  }
0x22: {  	[sflag:s11] =	ssyncadd.s32 $0xFFFFF800  }
0x23: {  	[spmem:s7] =	stream.linear.scatter [tilespmem:s12], [sflag:$0x1], $0x800, $0x38;
	[tilespmem:$0x5F80] =	vst v63  }
0x24: {  	_ =	swait.ge [sflag:s11], $0x800  }
0x25: {  	[sflag:s11] =	ssyncset.done $0x0  }
0x26: {  	[sflag:s11] =	ssyncadd.s32 $0xFFFFF800  }
0x27: {  	[spmem:s8] =	stream.linear.scatter [tilespmem:s12], [sflag:$0x1], $0x800, $0x38;
	[tilespmem:$0x5F80] =	vst v63  }
0x28: {  	_ =	swait.ge [sflag:s11], $0x800  }
0x29: {  	[sflag:s11] =	ssyncset.done $0x0  }
0x2a: {  	[sflag:s11] =	ssyncadd.s32 $0xFFFFF800  }
0x2b: {  	[spmem:s9] =	stream.linear.scatter [tilespmem:s12], [sflag:$0x1], $0x800, $0x38;
	[tilespmem:$0x5F80] =	vst v63  }
0x2c: {  	_ =	swait.ge [sflag:s11], $0x800  }
0x2d: {  	[sflag:s11] =	ssyncset.done $0x0  }
0x2e: {  	[sflag:s11] =	ssyncadd.s32 $0xFFFFF800  }
0x2f: {  	[spmem:s10] =	stream.linear.scatter [tilespmem:s12], [sflag:$0x1], $0x800, $0x38;
	[tilespmem:$0x5F80] =	vst v63  }
0x30: {  	_ =	swait.ge [sflag:s11], $0x800  }
0x31: {  	[sflag:s11] =	ssyncset.done $0x0  }
0x32: {  	[sflag:s11] =	ssyncadd.s32 $0xFFFFF800  }
0x33: {  	s19 =	simm.s32 $0x0;
	[bflag:$0x0] =	sbarrier.arrive $0xFFFF  }
0x34: {  	[spmem:s2] =	stream.indirect.scatter.add.f32 [tilespmem:s14], [sflag:$0x1], $0x10, s19, s13, $0xb8;
	[tilespmem:$0x5F80] =	vst v63  }
0x35: {  	_ =	swait.ge [sflag:s11], $0x800  }
0x36: {  	s19 =	simm.s32 $0x200;
	[sflag:s11] =	ssyncset.done $0x0  }
.LBB2_6:
0x37: {  	s20 =	sshra.s32 s19, $0x2;
	[sflag:s11] =	ssyncadd.s32 $0xFFFFF800;
	p0 =	sne.s32 s19, $0x9C00  }
0x38: {  	[spmem:s2] =	stream.indirect.scatter.add.f32 [tilespmem:s14], [sflag:$0x1], $0x10, s20, s13, $0xb8;
	[tilespmem:$0x5F80] =	vst v63  }
.Ltmp2:
0x39: {  	_ = 	snop;
	(pc) =	sbr.rel @p0 .LBB2_6-.Ltmp2, $4  }
0x3a: {  	_ = 	snop  }
0x3b: {  	s19 =	sadd.s32 $0x200, s19  }
0x3c: {  	_ =	swait.ge [sflag:s11], $0x800  }
0x3d: {  	[sflag:s11] =	ssyncset.done $0x0  }
0x3e: {  	s18 =	sadd.s32 $0x1, s18  }
0x3f: {  	[sflag:s11] =	ssyncadd.s32 $0xFFFFF800;
	p0 =	sne.s32 s18, s6  }
.Ltmp3:
0x40: {  	[bflag:$0x0] =	sbarrier.arrive $0xFFFF;
	(pc) =	sbr.rel @p0 .LBB2_1-.Ltmp3, $4  }
0x41: {  	[hbm:s15], [sflag:s16] =	dma.local [spmem:s17], $0x500  }
0x42: {  	_ =	swait.ge [sflag:s11], $0x500  }
0x43: {  	[sflag:s11] =	ssyncset.done $0x0  }
0x44: {  	[sflag:s11] =	ssyncadd.s32 $0xFFFFFB00  }
0x45: {  	_ =	sfence.sel $0x180000  }
0x46: {  	[bflag:$0x0] =	sbarrier.arrive $0xFFFF  }
0x47: {  	p0 =	sne.s32 s1, $0x0;
	_ =	strace $0x90000047  }
0x48: {  	s0 =	sadd.s32 @!p0 $0x100000, s0;
	[bflag:$0x2] =	sbarrier.arrive $0xFFFF  }
0x49: {  	[sflag:s0] =	ssyncadd.tile.s32 @!p0 $0x1;
	_ =	shalt  }
.Lfunc_end2:
_tile_overlayer_lowered:
.L_overlay_start_2:
0x4a: {  	(tag) =	ssettag $0x2  }
0x4b: {  	s0 =	rddreg [dreg:$0x0];
	s2 =	stileid.u32  }
0x4c: {  	s1 =	rddreg [dreg:$0x1];
	p0 =	sne.s32 s2, $0x0  }
0x4d: {  	s3 =	rddreg [dreg:$0x2];
	[bflag:$0x3] =	sbarrier.arrive $0xFFFF;
	s2 =	simm.s32 @!p0 $0x1C01  }
0x4e: {  	[timem:s3], [sflag:s2] =	dma.local @!p0 [hbm:s0], s1  }
0x4f: {  	s0 =	simm.s32 @!p0 $0x1  }
0x50: {  	_ =	swait.ge @!p0 [sflag:s0], s1  }
0x51: {  	s1 =	ssub.s32 @!p0 $0x0, s1;
	[sflag:s0] =	ssyncset.done @!p0 $0x0  }
0x52: {  	[sflag:s0] =	ssyncadd.s32 @!p0 s1  }
0x53: {  	[bflag:$0x3] =	sbarrier.arrive $0xFFFF  }
0x54: {  	_ =	shalt  }

</sc_bundles>
